<compile_context>
chip_gen: v7x
topology: tpu7x:2x2x1
jax: 0.10.2.dev20260603
libtpu: 0.0.44.dev20260713+nightly
codegen_flags: <defaults>
</compile_context>

<pallas_src>
import functools

import jax
import jax.numpy as jnp
from jax import lax
from jax.experimental import pallas as pl
from jax.experimental.pallas import tpu as pltpu
from jax.experimental.pallas import tpu_sc as plsc

N = 10000
E = 320000
D = 128
ALPHA = 0.1

NC = 2
NS = 16
NW = NC * NS
EPT = E // NW
CHUNK = 80
NCHUNK = EPT // CHUNK
RPT = N // NS
ROWS0 = 640
ROWSR = (N - ROWS0) // (NS - 1)
RB = 1000
GRID = N // RB

def _deg_body(dst_hbm, out_hbm, dstbuf, degbuf):
    c = lax.axis_index("c")
    s = lax.axis_index("s")
    wid = c * NS + s
    pltpu.sync_copy(dst_hbm.at[pl.ds(wid * EPT, EPT)], dstbuf)

    def zero(i, carry):
        degbuf[pl.ds(i * 16, 16)] = jnp.zeros((16,), jnp.float32)
        return carry

    lax.fori_loop(0, N // 16, zero, 0)
    ones = jnp.ones((16,), jnp.float32)

    def count(i, carry):
        dv = dstbuf[pl.ds(i * 16, 16)]
        plsc.addupdate_scatter(degbuf, [dv], ones)
        return carry

    lax.fori_loop(0, EPT // 16, count, 0)
    pltpu.sync_copy(degbuf, out_hbm.at[wid])


def _edge_body(t_hbm, u_hbm, src_hbm, dst_hbm, out_hbm, sidx, didx, rows,
               acc, gsem, ssem, isem):
    c = lax.axis_index("c")
    s = lax.axis_index("s")
    wid = c * NS + s

    def _seed_writeback(copy_fn):
        @pl.when(s == 0)
        def _():
            copy_fn(0, ROWS0)

        @pl.when(s > 0)
        def _():
            copy_fn(ROWS0 + (s - 1) * ROWSR, ROWSR)

    def _seed(off, nrows):
        @pl.when(c == 0)
        def _():
            pltpu.sync_copy(t_hbm.at[pl.ds(off, nrows)],
                            acc.at[pl.ds(off, nrows)])

        @pl.when(c == 1)
        def _():
            pltpu.sync_copy(u_hbm.at[pl.ds(off, nrows)],
                            acc.at[pl.ds(off, nrows)])

    _seed_writeback(_seed)
    pltpu.sync_copy(dst_hbm.at[wid], didx)
    plsc.subcore_barrier()

    def _stage(i, slot):
        pltpu.async_copy(src_hbm.at[pl.ds(wid * EPT + i * CHUNK, CHUNK)],
                         sidx[slot], isem[slot])

    def _gather(i, slot):
        pltpu.make_async_copy(src_hbm.at[pl.ds(wid * EPT, CHUNK)],
                              sidx[slot], isem[slot]).wait()
        pltpu.async_copy(t_hbm.at[sidx[slot]], rows[slot], gsem[slot])

    def _gwait(slot):
        pltpu.make_async_copy(t_hbm.at[sidx[slot]], rows[slot],
                              gsem[slot]).wait()

    def _scat(i, slot):
        pltpu.async_copy(rows[slot], acc.at[didx.at[i]], ssem[slot], add=True)

    def _swait(slot):
        pltpu.make_async_copy(rows[slot], acc.at[didx.at[0]],
                              ssem[slot]).wait()

    _stage(0, 0)
    _stage(1, 1)
    _gather(0, 0)
    _gwait(0)
    _stage(2, 0)
    _gather(1, 1)
    _scat(0, 0)

    def pair(j, carry):
        i0 = 2 * j
        _gwait(1)
        _stage(i0 + 1, 1)
        _swait(0)
        _gather(i0, 0)
        _scat(i0 - 1, 1)
        _gwait(0)
        _stage(i0 + 2, 0)
        _swait(1)
        _gather(i0 + 1, 1)
        _scat(i0, 0)
        return carry

    lax.fori_loop(1, (NCHUNK - 1) // 2, pair, 0)
    _gwait(1)
    _swait(0)
    _gather(NCHUNK - 1, 0)
    _scat(NCHUNK - 2, 1)
    _gwait(0)
    _swait(1)
    _scat(NCHUNK - 1, 0)
    _swait(0)
    plsc.subcore_barrier()
    _seed_writeback(lambda off, nrows: pltpu.sync_copy(
        acc.at[pl.ds(off, nrows)], out_hbm.at[pl.ds(c * N + off, nrows)]))


@functools.lru_cache(maxsize=None)
def _sc_calls():
    mesh = plsc.VectorSubcoreMesh(
        core_axis_name="c", subcore_axis_name="s",
        num_cores=NC, num_subcores=NS)
    deg_call = pl.kernel(
        _deg_body,
        out_type=jax.ShapeDtypeStruct((NW, N), jnp.float32),
        mesh=mesh,
        scratch_types=[
            pltpu.VMEM((EPT,), jnp.int32),
            pltpu.VMEM((N,), jnp.float32),
        ],
        compiler_params=pltpu.CompilerParams(needs_layout_passes=False, skip_device_barrier=True),
    )
    edge_call = pl.kernel(
        _edge_body,
        out_type=jax.ShapeDtypeStruct((2 * N, D), jnp.float32),
        mesh=mesh,
        scratch_types=[
            [pltpu.VMEM((CHUNK,), jnp.int32) for _ in range(2)],
            pltpu.VMEM((NCHUNK, CHUNK), jnp.int32),
            [pltpu.VMEM((CHUNK, D), jnp.float32) for _ in range(2)],
            pltpu.VMEM_SHARED((N, D), jnp.float32),
            [pltpu.SemaphoreType.DMA for _ in range(2)],
            [pltpu.SemaphoreType.DMA for _ in range(2)],
            [pltpu.SemaphoreType.DMA for _ in range(2)],
        ],
        compiler_params=pltpu.CompilerParams(skip_device_barrier=True),
    )
    return deg_call, edge_call


def _proj_body(parts_ref, x_ref, w_ref, b_ref, t_ref, u_ref, dinv_ref):
    i = pl.program_id(0)

    @pl.when(i == 0)
    def _():
        deg = jnp.sum(parts_ref[...], axis=0) + 1.0
        dinv_ref[...] = lax.rsqrt(deg)[:, None]

    dinv = dinv_ref[pl.ds(pl.multiple_of(i * RB, 8), RB), :]
    h = jnp.dot(x_ref[...], w_ref[...],
                preferred_element_type=jnp.float32,
                precision=lax.Precision.HIGHEST)
    h = jnp.maximum(h + b_ref[...], 0.0)
    t_ref[...] = h * dinv
    u_ref[...] = h / (((1.0 - ALPHA) / ALPHA) * dinv)


def _layer1_body(p0_ref, p1_ref, dinv_ref, w_ref, o_ref):
    dinv = dinv_ref[...]
    hm = (1.0 - ALPHA) * (dinv * (p0_ref[...] + p1_ref[...]))
    cur = jnp.maximum(
        jnp.dot(hm, w_ref[...], preferred_element_type=jnp.float32,
                precision=lax.Precision.HIGHEST), 0.0)
    o_ref[...] = dinv * cur


def _layer2_body(p0_ref, p1_ref, dinv_ref, w_ref, wo_ref, bo_ref, o_ref):
    dinv = dinv_ref[...]
    hm = (1.0 - ALPHA) * (dinv * (p0_ref[...] + p1_ref[...]))
    cur = jnp.maximum(
        jnp.dot(hm, w_ref[...], preferred_element_type=jnp.float32,
                precision=lax.Precision.HIGHEST), 0.0)
    o_ref[...] = jnp.dot(cur, wo_ref[...], preferred_element_type=jnp.float32,
                         precision=lax.Precision.HIGHEST) + bo_ref[...]


def _row_spec(i_map=lambda i: (i, 0)):
    return pl.BlockSpec((RB, D), i_map)


_full_w = pl.BlockSpec((D, D), lambda i: (0, 0))
_full_b = pl.BlockSpec((1, D), lambda i: (0, 0))
_dinv_spec = pl.BlockSpec((RB, 1), lambda i: (i, 0))

_proj_call = pl.pallas_call(
    _proj_body,
    grid=(GRID,),
    in_specs=[pl.BlockSpec((NW, N), lambda i: (0, 0)), _row_spec(),
              _full_w, _full_b],
    out_specs=[_row_spec(), _row_spec(), pl.BlockSpec((N, 1), lambda i: (0, 0))],
    out_shape=[jax.ShapeDtypeStruct((N, D), jnp.float32),
               jax.ShapeDtypeStruct((N, D), jnp.float32),
               jax.ShapeDtypeStruct((N, 1), jnp.float32)],
)

_layer1_call = pl.pallas_call(
    _layer1_body,
    grid=(GRID,),
    in_specs=[_row_spec(), _row_spec(lambda i: (GRID + i, 0)), _dinv_spec,
              _full_w],
    out_specs=_row_spec(),
    out_shape=jax.ShapeDtypeStruct((N, D), jnp.float32),
)

_layer2_call = pl.pallas_call(
    _layer2_body,
    grid=(GRID,),
    in_specs=[_row_spec(), _row_spec(lambda i: (GRID + i, 0)), _dinv_spec,
              _full_w, _full_w, _full_b],
    out_specs=_row_spec(),
    out_shape=jax.ShapeDtypeStruct((N, D), jnp.float32),
)

def kernel(x, edge_index, W_in, b_in, W_convs, W_out, b_out):
    src = edge_index[0].astype(jnp.int32)
    dst = edge_index[1].astype(jnp.int32)
    _deg_call, _edge_call = _sc_calls()

    deg_parts = _deg_call(dst)
    t0, u, dinv_col = _proj_call(deg_parts, x, W_in, b_in.reshape(1, D))

    dst3d = dst.reshape(NW, NCHUNK, CHUNK)
    p1 = _edge_call(t0, u, src, dst3d)
    t1 = _layer1_call(p1, p1, dinv_col, W_convs[0])

    p2 = _edge_call(t1, u, src, dst3d)
    y = _layer2_call(p2, p2, dinv_col, W_convs[1], W_out, b_out.reshape(1, D))
    return y

# --- scband reference (transcript-rebuilt; emitter-appended) ---
"""Pipeline reference for scband-gcnii-5188320494459 (READ-ONLY COPY).

The authoritative reference and input builder live on the scoring server;
editing this copy changes nothing except your own understanding.
"""

import jax, jax.numpy as jnp
import numpy as np

N = 10000
E = 320000
D = 128
L = 2
ALPHA = 0.1


def setup_inputs(seed: int = 0) -> dict:
    key = jax.random.key(seed)
    ks = jax.random.split(key, 8)
    x = jax.random.normal(ks[0], (N, D), dtype=jnp.float32)
    edge_index = jax.random.randint(ks[1], (2, E), 0, N, dtype=jnp.int32).astype(jnp.int64)
    s = 1.0 / np.sqrt(D)
    W_in = jax.random.normal(ks[2], (D, D), dtype=jnp.float32) * s
    b_in = jnp.zeros((D,), dtype=jnp.float32)
    W_convs = jax.random.normal(ks[3], (L, D, D), dtype=jnp.float32) * s
    W_out = jax.random.normal(ks[4], (D, D), dtype=jnp.float32) * s
    b_out = jnp.zeros((D,), dtype=jnp.float32)
    return {"x": x, "edge_index": edge_index, "W_in": W_in, "b_in": b_in,
            "W_convs": W_convs, "W_out": W_out, "b_out": b_out}


def reference(x, edge_index, W_in, b_in, W_convs, W_out, b_out):
    n = x.shape[0]
    src = edge_index[0]
    dst = edge_index[1]
    # gcn_norm with self-loops (PyG GCN2Conv default, flow source_to_target)
    loop = jnp.arange(n, dtype=src.dtype)
    src2 = jnp.concatenate([src, loop])
    dst2 = jnp.concatenate([dst, loop])
    ones = jnp.ones(src2.shape[0], dtype=x.dtype)
    deg = jax.ops.segment_sum(ones, dst2, num_segments=n)
    dinv = jnp.where(deg > 0, 1.0 / jnp.sqrt(deg), 0.0)
    w = dinv[src2] * dinv[dst2]
    # input projection + ReLU
    h = jax.nn.relu(x @ W_in + b_in)
    x0 = h
    cur = h
    for i in range(L):
        msg = cur[src2] * w[:, None]              # gather + scale
        agg = jax.ops.segment_sum(msg, dst2, num_segments=n)  # scatter-add
        # GCN2Conv with theta=None -> beta=1.0, shared_weights=True:
        # out = ((1-alpha)*A_hat x + alpha*x0) @ W1
        hmix = (1.0 - ALPHA) * agg + ALPHA * x0
        cur = jax.nn.relu(hmix @ W_convs[i])
        # dropout is identity in eval mode
    return cur @ W_out + b_out

if __name__ == "__main__":
    import jax
    _d = setup_inputs()
    print(jax.jit(kernel)(*tuple(_d.values())))

</pallas_src>

<mosaic_0001>
#map = affine_map<(d0, d1) -> (0)>
#map1 = affine_map<(d0, d1) -> (0, 0)>
module attributes {stable_mosaic.version = 14 : i64} {
  func.func @_deg_body(%arg0: i32, %arg1: i32, %arg2: memref<320000xi32, #tpu.memory_space<hbm>>, %arg3: memref<32x10000xf32, #tpu.memory_space<hbm>>, %arg4: memref<10000xi32, #tpu.memory_space<vmem>>, %arg5: memref<10000xf32, #tpu.memory_space<vmem>>) attributes {dimension_semantics = [#tpu.dimension_semantics<core_parallel>, #tpu.dimension_semantics<subcore_parallel>], iteration_bounds = array<i64: 2, 16>, scalar_prefetch = 0 : i64, scratch_operands = 2 : i64, tpu.core_type = #tpu.core_type<sc_vector_subcore>, window_params = [{transform_indices = #map}, {transform_indices = #map1}]} {
    %mul3A = arith.constant 16 : i32
    %mul3A_0 = arith.muli %arg0, %mul3A : i32
    %add3A = arith.addi %mul3A_0, %arg1 : i32
    %mul3A_1 = arith.constant 10000 : i32
    %mul3A_2 = arith.muli %add3A, %mul3A_1 : i32
    "tpu.region"() ({
      %run_scoped3A = tpu.sem_alloc : memref<!tpu.dma_semaphore, #tpu.memory_space<semaphore_mem>>
      %dma_start3A = tpu.memref_slice %arg2[%mul3A_2] : memref<320000xi32, #tpu.memory_space<hbm>> -> memref<10000xi32, #tpu.memory_space<hbm>>
      %dma_start3A_15 = tpu.memref_slice %arg2[%mul3A_2] : memref<320000xi32, #tpu.memory_space<hbm>> -> memref<10000xi32, #tpu.memory_space<hbm>>
      tpu.enqueue_dma source(%dma_start3A_15 : memref<10000xi32, #tpu.memory_space<hbm>>) target(%arg4 : memref<10000xi32, #tpu.memory_space<vmem>>) target_semaphore(%run_scoped3A : memref<!tpu.dma_semaphore, #tpu.memory_space<semaphore_mem>>)
      %dma_wait3A = tpu.memref_slice %arg2[%mul3A_2] : memref<320000xi32, #tpu.memory_space<hbm>> -> memref<10000xi32, #tpu.memory_space<hbm>>
      %dma_wait3A_16 = tpu.memref_slice %arg2[%mul3A_2] : memref<320000xi32, #tpu.memory_space<hbm>> -> memref<10000xi32, #tpu.memory_space<hbm>>
      tpu.wait_dma2 semaphore(%run_scoped3A : memref<!tpu.dma_semaphore, #tpu.memory_space<semaphore_mem>>) src(%dma_wait3A_16 : memref<10000xi32, #tpu.memory_space<hbm>>) dst(%arg4 : memref<10000xi32, #tpu.memory_space<vmem>>)
      tpu.yield
    }) : () -> ()
    %scan3A = arith.constant 0 : i32
    %scan3A_3 = arith.constant 0 : i32
    %scan3A_4 = arith.constant 625 : i32
    %scan3A_5 = arith.addi %scan3A_3, %scan3A_4 : i32
    %scan3A_6 = arith.constant 1 : i32
    scf.for %scan3A_15 = %scan3A_3 to %scan3A_5 step %scan3A_6  : i32 {
      %broadcast_in_dim3A_16 = arith.constant 0.000000e+00 : f32
      %broadcast_in_dim3A_17 = vector.broadcast %broadcast_in_dim3A_16 : f32 to vector<16xf32>
      %mul3A_18 = arith.constant 16 : i32
      %mul3A_19 = arith.muli %scan3A_15, %mul3A_18 : i32
      %swap3A = arith.index_cast %mul3A_19 : i32 to index
      %swap3A_20 = tpu.vector_load %arg5[%swap3A] {strides = array<i32>} : memref<10000xf32, #tpu.memory_space<vmem>>, vector<16xf32>,
      tpu.vector_store %arg5[%swap3A], %broadcast_in_dim3A_17 {strides = array<i32>} : memref<10000xf32, #tpu.memory_space<vmem>>, vector<16xf32>,
    }
    %scan3A_7 = arith.constant 625 : i32
    %broadcast_in_dim3A = arith.constant 1.000000e+00 : f32
    %broadcast_in_dim3A_8 = vector.broadcast %broadcast_in_dim3A : f32 to vector<16xf32>
    %scan3A_9 = arith.constant 0 : i32
    %scan3A_10 = arith.constant 0 : i32
    %scan3A_11 = arith.constant 625 : i32
    %scan3A_12 = arith.addi %scan3A_10, %scan3A_11 : i32
    %scan3A_13 = arith.constant 1 : i32
    scf.for %scan3A_15 = %scan3A_10 to %scan3A_12 step %scan3A_13  : i32 {
      %mul3A_16 = arith.constant 16 : i32
      %mul3A_17 = arith.muli %scan3A_15, %mul3A_16 : i32
      %get3A = arith.index_cast %mul3A_17 : i32 to index
      %get3A_18 = tpu.vector_load %arg4[%get3A] {strides = array<i32>} : memref<10000xi32, #tpu.memory_space<vmem>>, vector<16xi32>,
      tpu.vector_store_idx %arg5[%get3A_18], %broadcast_in_dim3A_8 {add = true} : memref<10000xf32, #tpu.memory_space<vmem>>[vector<16xi32>], vector<16xf32>,
    }
    %scan3A_14 = arith.constant 625 : i32
    "tpu.region"() ({
      %run_scoped3A = tpu.sem_alloc : memref<!tpu.dma_semaphore, #tpu.memory_space<semaphore_mem>>
      %dma_start3A = arith.constant 0 : i32
      %dma_start3A_15 = tpu.memref_slice %arg3[%add3A, %dma_start3A] : memref<32x10000xf32, #tpu.memory_space<hbm>> -> memref<1x10000xf32, #tpu.memory_space<hbm>>
      %dma_start3A_16 = tpu.memref_squeeze %dma_start3A_15 : memref<1x10000xf32, #tpu.memory_space<hbm>> -> memref<10000xf32, #tpu.memory_space<hbm>>
      %dma_start3A_17 = arith.constant 0 : i32
      %dma_start3A_18 = tpu.memref_slice %arg3[%add3A, %dma_start3A_17] : memref<32x10000xf32, #tpu.memory_space<hbm>> -> memref<1x10000xf32, #tpu.memory_space<hbm>>
      %dma_start3A_19 = tpu.memref_squeeze %dma_start3A_18 : memref<1x10000xf32, #tpu.memory_space<hbm>> -> memref<10000xf32, #tpu.memory_space<hbm>>
      tpu.enqueue_dma source(%arg5 : memref<10000xf32, #tpu.memory_space<vmem>>) target(%dma_start3A_19 : memref<10000xf32, #tpu.memory_space<hbm>>) target_semaphore(%run_scoped3A : memref<!tpu.dma_semaphore, #tpu.memory_space<semaphore_mem>>)
      %dma_wait3A = arith.constant 0 : i32
      %dma_wait3A_20 = tpu.memref_slice %arg3[%add3A, %dma_wait3A] : memref<32x10000xf32, #tpu.memory_space<hbm>> -> memref<1x10000xf32, #tpu.memory_space<hbm>>
      %dma_wait3A_21 = tpu.memref_squeeze %dma_wait3A_20 : memref<1x10000xf32, #tpu.memory_space<hbm>> -> memref<10000xf32, #tpu.memory_space<hbm>>
      %dma_wait3A_22 = arith.constant 0 : i32
      %dma_wait3A_23 = tpu.memref_slice %arg3[%add3A, %dma_wait3A_22] : memref<32x10000xf32, #tpu.memory_space<hbm>> -> memref<1x10000xf32, #tpu.memory_space<hbm>>
      %dma_wait3A_24 = tpu.memref_squeeze %dma_wait3A_23 : memref<1x10000xf32, #tpu.memory_space<hbm>> -> memref<10000xf32, #tpu.memory_space<hbm>>
      tpu.wait_dma2 semaphore(%run_scoped3A : memref<!tpu.dma_semaphore, #tpu.memory_space<semaphore_mem>>) src(%arg5 : memref<10000xf32, #tpu.memory_space<vmem>>) dst(%dma_wait3A_24 : memref<10000xf32, #tpu.memory_space<hbm>>)
      tpu.yield
    }) : () -> ()
    return
  }
}

#map = affine_map<(d0, d1) -> (0, 0)>
#map1 = affine_map<(d0, d1) -> (0)>
#map2 = affine_map<(d0, d1) -> (0, 0, 0)>
module attributes {stable_mosaic.version = 14 : i64} {
  func.func @_edge_body(%arg0: i32, %arg1: i32, %arg2: memref<10000x128xf32, #tpu.memory_space<hbm>>, %arg3: memref<10000x128xf32, #tpu.memory_space<hbm>>, %arg4: memref<320000xi32, #tpu.memory_space<hbm>>, %arg5: memref<32x125x80xi32, #tpu.memory_space<hbm>>, %arg6: memref<20000x128xf32, #tpu.memory_space<hbm>>, %arg7: memref<80xi32, #tpu.memory_space<vmem>>, %arg8: memref<80xi32, #tpu.memory_space<vmem>>, %arg9: memref<125x80xi32, #tpu.memory_space<vmem>>, %arg10: memref<80x128xf32, #tpu.memory_space<vmem>>, %arg11: memref<80x128xf32, #tpu.memory_space<vmem>>, %arg12: memref<10000x128xf32, #tpu.memory_space<vmem_shared>>, %arg13: memref<!tpu.dma_semaphore, #tpu.memory_space<semaphore_mem>>, %arg14: memref<!tpu.dma_semaphore, #tpu.memory_space<semaphore_mem>>, %arg15: memref<!tpu.dma_semaphore, #tpu.memory_space<semaphore_mem>>, %arg16: memref<!tpu.dma_semaphore, #tpu.memory_space<semaphore_mem>>, %arg17: memref<!tpu.dma_semaphore, #tpu.memory_space<semaphore_mem>>, %arg18: memref<!tpu.dma_semaphore, #tpu.memory_space<semaphore_mem>>) attributes {dimension_semantics = [#tpu.dimension_semantics<core_parallel>, #tpu.dimension_semantics<subcore_parallel>], iteration_bounds = array<i64: 2, 16>, scalar_prefetch = 0 : i64, scratch_operands = 12 : i64, tpu.core_type = #tpu.core_type<sc_vector_subcore>, window_params = [{transform_indices = #map}, {transform_indices = #map}, {transform_indices = #map1}, {transform_indices = #map2}, {transform_indices = #map}]} {
    %mul3A = arith.constant 16 : i32
    %mul3A_0 = arith.muli %arg0, %mul3A : i32
    %add3A = arith.addi %mul3A_0, %arg1 : i32
    %eq3A = arith.constant 0 : i32
    %eq3A_1 = arith.cmpi eq, %arg1, %eq3A : i32
    %convert_element_type3A = arith.extui %eq3A_1 : i1 to i32
    %cond3A = arith.constant 0 : i32
    %cond3A_2 = arith.cmpi ne, %convert_element_type3A, %cond3A : i32
    scf.if %cond3A_2 {
      %eq3A_111 = arith.constant 0 : i32
      %eq3A_112 = arith.cmpi eq, %arg0, %eq3A_111 : i32
      %convert_element_type3A_113 = arith.extui %eq3A_112 : i1 to i32
      %cond3A_114 = arith.constant 0 : i32
      %cond3A_115 = arith.cmpi ne, %convert_element_type3A_113, %cond3A_114 : i32
      scf.if %cond3A_115 {
        "tpu.region"() ({
          %run_scoped3A = tpu.sem_alloc : memref<!tpu.dma_semaphore, #tpu.memory_space<semaphore_mem>>
          %dma_start3A_121 = arith.constant 0 : i32
          %dma_start3A_122 = arith.constant 0 : i32
          %dma_start3A_123 = tpu.memref_slice %arg12[%dma_start3A_121, %dma_start3A_122] : memref<10000x128xf32, #tpu.memory_space<vmem_shared>> -> memref<640x128xf32, #tpu.memory_space<vmem_shared>>
          %dma_start3A_124 = arith.constant 0 : i32
          %dma_start3A_125 = arith.constant 0 : i32
          %dma_start3A_126 = tpu.memref_slice %arg2[%dma_start3A_124, %dma_start3A_125] : memref<10000x128xf32, #tpu.memory_space<hbm>> -> memref<640x128xf32, #tpu.memory_space<hbm>>
          tpu.enqueue_dma source(%dma_start3A_126 : memref<640x128xf32, #tpu.memory_space<hbm>>) target(%dma_start3A_123 : memref<640x128xf32, #tpu.memory_space<vmem_shared>>) target_semaphore(%run_scoped3A : memref<!tpu.dma_semaphore, #tpu.memory_space<semaphore_mem>>)
          %dma_wait3A_127 = arith.constant 0 : i32
          %dma_wait3A_128 = arith.constant 0 : i32
          %dma_wait3A_129 = tpu.memref_slice %arg12[%dma_wait3A_127, %dma_wait3A_128] : memref<10000x128xf32, #tpu.memory_space<vmem_shared>> -> memref<640x128xf32, #tpu.memory_space<vmem_shared>>
          %dma_wait3A_130 = arith.constant 0 : i32
          %dma_wait3A_131 = arith.constant 0 : i32
          %dma_wait3A_132 = tpu.memref_slice %arg2[%dma_wait3A_130, %dma_wait3A_131] : memref<10000x128xf32, #tpu.memory_space<hbm>> -> memref<640x128xf32, #tpu.memory_space<hbm>>
          tpu.wait_dma2 semaphore(%run_scoped3A : memref<!tpu.dma_semaphore, #tpu.memory_space<semaphore_mem>>) src(%dma_wait3A_132 : memref<640x128xf32, #tpu.memory_space<hbm>>) dst(%dma_wait3A_129 : memref<640x128xf32, #tpu.memory_space<vmem_shared>>)
          tpu.yield
        }) : () -> ()
      } else {
      }
      %eq3A_116 = arith.constant 1 : i32
      %eq3A_117 = arith.cmpi eq, %arg0, %eq3A_116 : i32
      %convert_element_type3A_118 = arith.extui %eq3A_117 : i1 to i32
      %cond3A_119 = arith.constant 0 : i32
      %cond3A_120 = arith.cmpi ne, %convert_element_type3A_118, %cond3A_119 : i32
      scf.if %cond3A_120 {
        "tpu.region"() ({
          %run_scoped3A = tpu.sem_alloc : memref<!tpu.dma_semaphore, #tpu.memory_space<semaphore_mem>>
          %dma_start3A_121 = arith.constant 0 : i32
          %dma_start3A_122 = arith.constant 0 : i32
          %dma_start3A_123 = tpu.memref_slice %arg12[%dma_start3A_121, %dma_start3A_122] : memref<10000x128xf32, #tpu.memory_space<vmem_shared>> -> memref<640x128xf32, #tpu.memory_space<vmem_shared>>
          %dma_start3A_124 = arith.constant 0 : i32
          %dma_start3A_125 = arith.constant 0 : i32
          %dma_start3A_126 = tpu.memref_slice %arg3[%dma_start3A_124, %dma_start3A_125] : memref<10000x128xf32, #tpu.memory_space<hbm>> -> memref<640x128xf32, #tpu.memory_space<hbm>>
          tpu.enqueue_dma source(%dma_start3A_126 : memref<640x128xf32, #tpu.memory_space<hbm>>) target(%dma_start3A_123 : memref<640x128xf32, #tpu.memory_space<vmem_shared>>) target_semaphore(%run_scoped3A : memref<!tpu.dma_semaphore, #tpu.memory_space<semaphore_mem>>)
          %dma_wait3A_127 = arith.constant 0 : i32
          %dma_wait3A_128 = arith.constant 0 : i32
          %dma_wait3A_129 = tpu.memref_slice %arg12[%dma_wait3A_127, %dma_wait3A_128] : memref<10000x128xf32, #tpu.memory_space<vmem_shared>> -> memref<640x128xf32, #tpu.memory_space<vmem_shared>>
          %dma_wait3A_130 = arith.constant 0 : i32
          %dma_wait3A_131 = arith.constant 0 : i32
          %dma_wait3A_132 = tpu.memref_slice %arg3[%dma_wait3A_130, %dma_wait3A_131] : memref<10000x128xf32, #tpu.memory_space<hbm>> -> memref<640x128xf32, #tpu.memory_space<hbm>>
          tpu.wait_dma2 semaphore(%run_scoped3A : memref<!tpu.dma_semaphore, #tpu.memory_space<semaphore_mem>>) src(%dma_wait3A_132 : memref<640x128xf32, #tpu.memory_space<hbm>>) dst(%dma_wait3A_129 : memref<640x128xf32, #tpu.memory_space<vmem_shared>>)
          tpu.yield
        }) : () -> ()
      } else {
      }
    } else {
    }
    %gt3A = arith.constant 0 : i32
    %gt3A_3 = arith.cmpi sgt, %arg1, %gt3A : i32
    %convert_element_type3A_4 = arith.extui %gt3A_3 : i1 to i32
    %cond3A_5 = arith.constant 0 : i32
    %cond3A_6 = arith.cmpi ne, %convert_element_type3A_4, %cond3A_5 : i32
    scf.if %cond3A_6 {
      %sub3A = arith.constant 1 : i32
      %sub3A_111 = arith.subi %arg1, %sub3A : i32
      %mul3A_112 = arith.constant 624 : i32
      %mul3A_113 = arith.muli %sub3A_111, %mul3A_112 : i32
      %add3A_114 = arith.constant 640 : i32
      %add3A_115 = arith.addi %add3A_114, %mul3A_113 : i32
      %eq3A_116 = arith.constant 0 : i32
      %eq3A_117 = arith.cmpi eq, %arg0, %eq3A_116 : i32
      %convert_element_type3A_118 = arith.extui %eq3A_117 : i1 to i32
      %cond3A_119 = arith.constant 0 : i32
      %cond3A_120 = arith.cmpi ne, %convert_element_type3A_118, %cond3A_119 : i32
      scf.if %cond3A_120 {
        "tpu.region"() ({
          %run_scoped3A = tpu.sem_alloc : memref<!tpu.dma_semaphore, #tpu.memory_space<semaphore_mem>>
          %dma_start3A_126 = arith.constant 0 : i32
          %dma_start3A_127 = tpu.memref_slice %arg12[%add3A_115, %dma_start3A_126] : memref<10000x128xf32, #tpu.memory_space<vmem_shared>> -> memref<624x128xf32, #tpu.memory_space<vmem_shared>>
          %dma_start3A_128 = arith.constant 0 : i32
          %dma_start3A_129 = tpu.memref_slice %arg2[%add3A_115, %dma_start3A_128] : memref<10000x128xf32, #tpu.memory_space<hbm>> -> memref<624x128xf32, #tpu.memory_space<hbm>>
          tpu.enqueue_dma source(%dma_start3A_129 : memref<624x128xf32, #tpu.memory_space<hbm>>) target(%dma_start3A_127 : memref<624x128xf32, #tpu.memory_space<vmem_shared>>) target_semaphore(%run_scoped3A : memref<!tpu.dma_semaphore, #tpu.memory_space<semaphore_mem>>)
          %dma_wait3A_130 = arith.constant 0 : i32
          %dma_wait3A_131 = tpu.memref_slice %arg12[%add3A_115, %dma_wait3A_130] : memref<10000x128xf32, #tpu.memory_space<vmem_shared>> -> memref<624x128xf32, #tpu.memory_space<vmem_shared>>
          %dma_wait3A_132 = arith.constant 0 : i32
          %dma_wait3A_133 = tpu.memref_slice %arg2[%add3A_115, %dma_wait3A_132] : memref<10000x128xf32, #tpu.memory_space<hbm>> -> memref<624x128xf32, #tpu.memory_space<hbm>>
          tpu.wait_dma2 semaphore(%run_scoped3A : memref<!tpu.dma_semaphore, #tpu.memory_space<semaphore_mem>>) src(%dma_wait3A_133 : memref<624x128xf32, #tpu.memory_space<hbm>>) dst(%dma_wait3A_131 : memref<624x128xf32, #tpu.memory_space<vmem_shared>>)
          tpu.yield
        }) : () -> ()
      } else {
      }
      %eq3A_121 = arith.constant 1 : i32
      %eq3A_122 = arith.cmpi eq, %arg0, %eq3A_121 : i32
      %convert_element_type3A_123 = arith.extui %eq3A_122 : i1 to i32
      %cond3A_124 = arith.constant 0 : i32
      %cond3A_125 = arith.cmpi ne, %convert_element_type3A_123, %cond3A_124 : i32
      scf.if %cond3A_125 {
        "tpu.region"() ({
          %run_scoped3A = tpu.sem_alloc : memref<!tpu.dma_semaphore, #tpu.memory_space<semaphore_mem>>
          %dma_start3A_126 = arith.constant 0 : i32
          %dma_start3A_127 = tpu.memref_slice %arg12[%add3A_115, %dma_start3A_126] : memref<10000x128xf32, #tpu.memory_space<vmem_shared>> -> memref<624x128xf32, #tpu.memory_space<vmem_shared>>
          %dma_start3A_128 = arith.constant 0 : i32
          %dma_start3A_129 = tpu.memref_slice %arg3[%add3A_115, %dma_start3A_128] : memref<10000x128xf32, #tpu.memory_space<hbm>> -> memref<624x128xf32, #tpu.memory_space<hbm>>
          tpu.enqueue_dma source(%dma_start3A_129 : memref<624x128xf32, #tpu.memory_space<hbm>>) target(%dma_start3A_127 : memref<624x128xf32, #tpu.memory_space<vmem_shared>>) target_semaphore(%run_scoped3A : memref<!tpu.dma_semaphore, #tpu.memory_space<semaphore_mem>>)
          %dma_wait3A_130 = arith.constant 0 : i32
          %dma_wait3A_131 = tpu.memref_slice %arg12[%add3A_115, %dma_wait3A_130] : memref<10000x128xf32, #tpu.memory_space<vmem_shared>> -> memref<624x128xf32, #tpu.memory_space<vmem_shared>>
          %dma_wait3A_132 = arith.constant 0 : i32
          %dma_wait3A_133 = tpu.memref_slice %arg3[%add3A_115, %dma_wait3A_132] : memref<10000x128xf32, #tpu.memory_space<hbm>> -> memref<624x128xf32, #tpu.memory_space<hbm>>
          tpu.wait_dma2 semaphore(%run_scoped3A : memref<!tpu.dma_semaphore, #tpu.memory_space<semaphore_mem>>) src(%dma_wait3A_133 : memref<624x128xf32, #tpu.memory_space<hbm>>) dst(%dma_wait3A_131 : memref<624x128xf32, #tpu.memory_space<vmem_shared>>)
          tpu.yield
        }) : () -> ()
      } else {
      }
    } else {
    }
    "tpu.region"() ({
      %run_scoped3A = tpu.sem_alloc : memref<!tpu.dma_semaphore, #tpu.memory_space<semaphore_mem>>
      %dma_start3A_111 = arith.constant 0 : i32
      %dma_start3A_112 = arith.constant 0 : i32
      %dma_start3A_113 = tpu.memref_slice %arg5[%add3A, %dma_start3A_111, %dma_start3A_112] : memref<32x125x80xi32, #tpu.memory_space<hbm>> -> memref<1x125x80xi32, #tpu.memory_space<hbm>>
      %dma_start3A_114 = tpu.memref_squeeze %dma_start3A_113 : memref<1x125x80xi32, #tpu.memory_space<hbm>> -> memref<125x80xi32, #tpu.memory_space<hbm>>
      %dma_start3A_115 = arith.constant 0 : i32
      %dma_start3A_116 = arith.constant 0 : i32
      %dma_start3A_117 = tpu.memref_slice %arg5[%add3A, %dma_start3A_115, %dma_start3A_116] : memref<32x125x80xi32, #tpu.memory_space<hbm>> -> memref<1x125x80xi32, #tpu.memory_space<hbm>>
      %dma_start3A_118 = tpu.memref_squeeze %dma_start3A_117 : memref<1x125x80xi32, #tpu.memory_space<hbm>> -> memref<125x80xi32, #tpu.memory_space<hbm>>
      tpu.enqueue_dma source(%dma_start3A_118 : memref<125x80xi32, #tpu.memory_space<hbm>>) target(%arg9 : memref<125x80xi32, #tpu.memory_space<vmem>>) target_semaphore(%run_scoped3A : memref<!tpu.dma_semaphore, #tpu.memory_space<semaphore_mem>>)
      %dma_wait3A_119 = arith.constant 0 : i32
      %dma_wait3A_120 = arith.constant 0 : i32
      %dma_wait3A_121 = tpu.memref_slice %arg5[%add3A, %dma_wait3A_119, %dma_wait3A_120] : memref<32x125x80xi32, #tpu.memory_space<hbm>> -> memref<1x125x80xi32, #tpu.memory_space<hbm>>
      %dma_wait3A_122 = tpu.memref_squeeze %dma_wait3A_121 : memref<1x125x80xi32, #tpu.memory_space<hbm>> -> memref<125x80xi32, #tpu.memory_space<hbm>>
      %dma_wait3A_123 = arith.constant 0 : i32
      %dma_wait3A_124 = arith.constant 0 : i32
      %dma_wait3A_125 = tpu.memref_slice %arg5[%add3A, %dma_wait3A_123, %dma_wait3A_124] : memref<32x125x80xi32, #tpu.memory_space<hbm>> -> memref<1x125x80xi32, #tpu.memory_space<hbm>>
      %dma_wait3A_126 = tpu.memref_squeeze %dma_wait3A_125 : memref<1x125x80xi32, #tpu.memory_space<hbm>> -> memref<125x80xi32, #tpu.memory_space<hbm>>
      tpu.wait_dma2 semaphore(%run_scoped3A : memref<!tpu.dma_semaphore, #tpu.memory_space<semaphore_mem>>) src(%dma_wait3A_126 : memref<125x80xi32, #tpu.memory_space<hbm>>) dst(%arg9 : memref<125x80xi32, #tpu.memory_space<vmem>>)
      tpu.yield
    }) : () -> ()
    %barrier3A = arith.constant 0 : index
    tpu.barrier barrier_id(%barrier3A)
    %mul3A_7 = arith.constant 10000 : i32
    %mul3A_8 = arith.muli %add3A, %mul3A_7 : i32
    %add3A_9 = arith.constant 0 : i32
    %add3A_10 = arith.addi %mul3A_8, %add3A_9 : i32
    %dma_start3A = tpu.memref_slice %arg4[%add3A_10] : memref<320000xi32, #tpu.memory_space<hbm>> -> memref<80xi32, #tpu.memory_space<hbm>>
    %dma_start3A_11 = tpu.memref_slice %arg4[%add3A_10] : memref<320000xi32, #tpu.memory_space<hbm>> -> memref<80xi32, #tpu.memory_space<hbm>>
    tpu.enqueue_dma source(%dma_start3A_11 : memref<80xi32, #tpu.memory_space<hbm>>) target(%arg7 : memref<80xi32, #tpu.memory_space<vmem>>) target_semaphore(%arg17 : memref<!tpu.dma_semaphore, #tpu.memory_space<semaphore_mem>>)
    %mul3A_12 = arith.constant 10000 : i32
    %mul3A_13 = arith.muli %add3A, %mul3A_12 : i32
    %add3A_14 = arith.constant 80 : i32
    %add3A_15 = arith.addi %mul3A_13, %add3A_14 : i32
    %dma_start3A_16 = tpu.memref_slice %arg4[%add3A_15] : memref<320000xi32, #tpu.memory_space<hbm>> -> memref<80xi32, #tpu.memory_space<hbm>>
    %dma_start3A_17 = tpu.memref_slice %arg4[%add3A_15] : memref<320000xi32, #tpu.memory_space<hbm>> -> memref<80xi32, #tpu.memory_space<hbm>>
    tpu.enqueue_dma source(%dma_start3A_17 : memref<80xi32, #tpu.memory_space<hbm>>) target(%arg8 : memref<80xi32, #tpu.memory_space<vmem>>) target_semaphore(%arg18 : memref<!tpu.dma_semaphore, #tpu.memory_space<semaphore_mem>>)
    %mul3A_18 = arith.constant 10000 : i32
    %mul3A_19 = arith.muli %add3A, %mul3A_18 : i32
    %dma_wait3A = tpu.memref_slice %arg4[%mul3A_19] : memref<320000xi32, #tpu.memory_space<hbm>> -> memref<80xi32, #tpu.memory_space<hbm>>
    %dma_wait3A_20 = tpu.memref_slice %arg4[%mul3A_19] : memref<320000xi32, #tpu.memory_space<hbm>> -> memref<80xi32, #tpu.memory_space<hbm>>
    tpu.wait_dma2 semaphore(%arg17 : memref<!tpu.dma_semaphore, #tpu.memory_space<semaphore_mem>>) src(%dma_wait3A_20 : memref<80xi32, #tpu.memory_space<hbm>>) dst(%arg7 : memref<80xi32, #tpu.memory_space<vmem>>)
    %dma_start3A_21 = arith.constant 0 : i32
    %dma_start3A_22 = arith.constant 0 : i32
    %dma_start3A_23 = tpu.memref_slice %arg2[%dma_start3A_21, %dma_start3A_22] : memref<10000x128xf32, #tpu.memory_space<hbm>> -> memref<10000x128xf32, #tpu.memory_space<hbm>>
    tpu.enqueue_indirect_dma source(%dma_start3A_23 : memref<10000x128xf32, #tpu.memory_space<hbm>>) target(%arg10 : memref<80x128xf32, #tpu.memory_space<vmem>>) offsets(%arg7 : memref<80xi32, #tpu.memory_space<vmem>>) semaphore(%arg13 : memref<!tpu.dma_semaphore, #tpu.memory_space<semaphore_mem>>)
    %dma_wait3A_24 = arith.constant 0 : i32
    %dma_wait3A_25 = arith.constant 0 : i32
    %dma_wait3A_26 = tpu.memref_slice %arg2[%dma_wait3A_24, %dma_wait3A_25] : memref<10000x128xf32, #tpu.memory_space<hbm>> -> memref<10000x128xf32, #tpu.memory_space<hbm>>
    tpu.wait_indirect_dma semaphore(%arg13 : memref<!tpu.dma_semaphore, #tpu.memory_space<semaphore_mem>>) src(%dma_wait3A_26 : memref<10000x128xf32, #tpu.memory_space<hbm>>) dst(%arg10 : memref<80x128xf32, #tpu.memory_space<vmem>>)
    %mul3A_27 = arith.constant 10000 : i32
    %mul3A_28 = arith.muli %add3A, %mul3A_27 : i32
    %add3A_29 = arith.constant 160 : i32
    %add3A_30 = arith.addi %mul3A_28, %add3A_29 : i32
    %dma_start3A_31 = tpu.memref_slice %arg4[%add3A_30] : memref<320000xi32, #tpu.memory_space<hbm>> -> memref<80xi32, #tpu.memory_space<hbm>>
    %dma_start3A_32 = tpu.memref_slice %arg4[%add3A_30] : memref<320000xi32, #tpu.memory_space<hbm>> -> memref<80xi32, #tpu.memory_space<hbm>>
    tpu.enqueue_dma source(%dma_start3A_32 : memref<80xi32, #tpu.memory_space<hbm>>) target(%arg7 : memref<80xi32, #tpu.memory_space<vmem>>) target_semaphore(%arg17 : memref<!tpu.dma_semaphore, #tpu.memory_space<semaphore_mem>>)
    %mul3A_33 = arith.constant 10000 : i32
    %mul3A_34 = arith.muli %add3A, %mul3A_33 : i32
    %dma_wait3A_35 = tpu.memref_slice %arg4[%mul3A_34] : memref<320000xi32, #tpu.memory_space<hbm>> -> memref<80xi32, #tpu.memory_space<hbm>>
    %dma_wait3A_36 = tpu.memref_slice %arg4[%mul3A_34] : memref<320000xi32, #tpu.memory_space<hbm>> -> memref<80xi32, #tpu.memory_space<hbm>>
    tpu.wait_dma2 semaphore(%arg18 : memref<!tpu.dma_semaphore, #tpu.memory_space<semaphore_mem>>) src(%dma_wait3A_36 : memref<80xi32, #tpu.memory_space<hbm>>) dst(%arg8 : memref<80xi32, #tpu.memory_space<vmem>>)
    %dma_start3A_37 = arith.constant 0 : i32
    %dma_start3A_38 = arith.constant 0 : i32
    %dma_start3A_39 = tpu.memref_slice %arg2[%dma_start3A_37, %dma_start3A_38] : memref<10000x128xf32, #tpu.memory_space<hbm>> -> memref<10000x128xf32, #tpu.memory_space<hbm>>
    tpu.enqueue_indirect_dma source(%dma_start3A_39 : memref<10000x128xf32, #tpu.memory_space<hbm>>) target(%arg11 : memref<80x128xf32, #tpu.memory_space<vmem>>) offsets(%arg8 : memref<80xi32, #tpu.memory_space<vmem>>) semaphore(%arg14 : memref<!tpu.dma_semaphore, #tpu.memory_space<semaphore_mem>>)
    %dma_start3A_40 = arith.constant 0 : i32
    %dma_start3A_41 = arith.constant 0 : i32
    %dma_start3A_42 = tpu.memref_slice %arg9[%dma_start3A_40, %dma_start3A_41] : memref<125x80xi32, #tpu.memory_space<vmem>> -> memref<1x80xi32, #tpu.memory_space<vmem>>
    %dma_start3A_43 = tpu.memref_squeeze %dma_start3A_42 : memref<1x80xi32, #tpu.memory_space<vmem>> -> memref<80xi32, #tpu.memory_space<vmem>>
    %dma_start3A_44 = arith.constant 0 : i32
    %dma_start3A_45 = arith.constant 0 : i32
    %dma_start3A_46 = tpu.memref_slice %arg12[%dma_start3A_44, %dma_start3A_45] : memref<10000x128xf32, #tpu.memory_space<vmem_shared>> -> memref<10000x128xf32, #tpu.memory_space<vmem_shared>>
    tpu.enqueue_indirect_dma source(%arg10 : memref<80x128xf32, #tpu.memory_space<vmem>>) target(%dma_start3A_46 : memref<10000x128xf32, #tpu.memory_space<vmem_shared>>) offsets(%dma_start3A_43 : memref<80xi32, #tpu.memory_space<vmem>>) semaphore(%arg15 : memref<!tpu.dma_semaphore, #tpu.memory_space<semaphore_mem>>) {add = true}
    %scan3A = arith.constant 0 : i32
    %scan3A_47 = arith.constant 1 : i32
    %scan3A_48 = arith.constant 61 : i32
    %scan3A_49 = arith.addi %scan3A_47, %scan3A_48 : i32
    %scan3A_50 = arith.constant 1 : i32
    scf.for %scan3A_111 = %scan3A_47 to %scan3A_49 step %scan3A_50  : i32 {
      %mul3A_112 = arith.constant 2 : i32
      %mul3A_113 = arith.muli %mul3A_112, %scan3A_111 : i32
      %dma_wait3A_114 = arith.constant 0 : i32
      %dma_wait3A_115 = arith.constant 0 : i32
      %dma_wait3A_116 = tpu.memref_slice %arg2[%dma_wait3A_114, %dma_wait3A_115] : memref<10000x128xf32, #tpu.memory_space<hbm>> -> memref<10000x128xf32, #tpu.memory_space<hbm>>
      tpu.wait_indirect_dma semaphore(%arg14 : memref<!tpu.dma_semaphore, #tpu.memory_space<semaphore_mem>>) src(%dma_wait3A_116 : memref<10000x128xf32, #tpu.memory_space<hbm>>) dst(%arg11 : memref<80x128xf32, #tpu.memory_space<vmem>>)
      %add3A_117 = arith.constant 1 : i32
      %add3A_118 = arith.addi %mul3A_113, %add3A_117 : i32
      %mul3A_119 = arith.constant 10000 : i32
      %mul3A_120 = arith.muli %add3A, %mul3A_119 : i32
      %mul3A_121 = arith.constant 80 : i32
      %mul3A_122 = arith.muli %add3A_118, %mul3A_121 : i32
      %add3A_123 = arith.addi %mul3A_120, %mul3A_122 : i32
      %dma_start3A_124 = tpu.memref_slice %arg4[%add3A_123] : memref<320000xi32, #tpu.memory_space<hbm>> -> memref<80xi32, #tpu.memory_space<hbm>>
      %dma_start3A_125 = tpu.memref_slice %arg4[%add3A_123] : memref<320000xi32, #tpu.memory_space<hbm>> -> memref<80xi32, #tpu.memory_space<hbm>>
      tpu.enqueue_dma source(%dma_start3A_125 : memref<80xi32, #tpu.memory_space<hbm>>) target(%arg8 : memref<80xi32, #tpu.memory_space<vmem>>) target_semaphore(%arg18 : memref<!tpu.dma_semaphore, #tpu.memory_space<semaphore_mem>>)
      %dma_wait3A_126 = arith.constant 0 : i32
      %dma_wait3A_127 = arith.constant 0 : i32
      %dma_wait3A_128 = tpu.memref_slice %arg9[%dma_wait3A_126, %dma_wait3A_127] : memref<125x80xi32, #tpu.memory_space<vmem>> -> memref<1x80xi32, #tpu.memory_space<vmem>>
      %dma_wait3A_129 = tpu.memref_squeeze %dma_wait3A_128 : memref<1x80xi32, #tpu.memory_space<vmem>> -> memref<80xi32, #tpu.memory_space<vmem>>
      %dma_wait3A_130 = arith.constant 0 : i32
      %dma_wait3A_131 = arith.constant 0 : i32
      %dma_wait3A_132 = tpu.memref_slice %arg12[%dma_wait3A_130, %dma_wait3A_131] : memref<10000x128xf32, #tpu.memory_space<vmem_shared>> -> memref<10000x128xf32, #tpu.memory_space<vmem_shared>>
      tpu.wait_indirect_dma semaphore(%arg15 : memref<!tpu.dma_semaphore, #tpu.memory_space<semaphore_mem>>) src(%arg10 : memref<80x128xf32, #tpu.memory_space<vmem>>) dst(%dma_wait3A_132 : memref<10000x128xf32, #tpu.memory_space<vmem_shared>>)
      %mul3A_133 = arith.constant 10000 : i32
      %mul3A_134 = arith.muli %add3A, %mul3A_133 : i32
      %dma_wait3A_135 = tpu.memref_slice %arg4[%mul3A_134] : memref<320000xi32, #tpu.memory_space<hbm>> -> memref<80xi32, #tpu.memory_space<hbm>>
      %dma_wait3A_136 = tpu.memref_slice %arg4[%mul3A_134] : memref<320000xi32, #tpu.memory_space<hbm>> -> memref<80xi32, #tpu.memory_space<hbm>>
      tpu.wait_dma2 semaphore(%arg17 : memref<!tpu.dma_semaphore, #tpu.memory_space<semaphore_mem>>) src(%dma_wait3A_136 : memref<80xi32, #tpu.memory_space<hbm>>) dst(%arg7 : memref<80xi32, #tpu.memory_space<vmem>>)
      %dma_start3A_137 = arith.constant 0 : i32
      %dma_start3A_138 = arith.constant 0 : i32
      %dma_start3A_139 = tpu.memref_slice %arg2[%dma_start3A_137, %dma_start3A_138] : memref<10000x128xf32, #tpu.memory_space<hbm>> -> memref<10000x128xf32, #tpu.memory_space<hbm>>
      tpu.enqueue_indirect_dma source(%dma_start3A_139 : memref<10000x128xf32, #tpu.memory_space<hbm>>) target(%arg10 : memref<80x128xf32, #tpu.memory_space<vmem>>) offsets(%arg7 : memref<80xi32, #tpu.memory_space<vmem>>) semaphore(%arg13 : memref<!tpu.dma_semaphore, #tpu.memory_space<semaphore_mem>>)
      %sub3A = arith.constant 1 : i32
      %sub3A_140 = arith.subi %mul3A_113, %sub3A : i32
      %dma_start3A_141 = arith.constant 0 : i32
      %dma_start3A_142 = tpu.memref_slice %arg9[%sub3A_140, %dma_start3A_141] : memref<125x80xi32, #tpu.memory_space<vmem>> -> memref<1x80xi32, #tpu.memory_space<vmem>>
      %dma_start3A_143 = tpu.memref_squeeze %dma_start3A_142 : memref<1x80xi32, #tpu.memory_space<vmem>> -> memref<80xi32, #tpu.memory_space<vmem>>
      %dma_start3A_144 = arith.constant 0 : i32
      %dma_start3A_145 = arith.constant 0 : i32
      %dma_start3A_146 = tpu.memref_slice %arg12[%dma_start3A_144, %dma_start3A_145] : memref<10000x128xf32, #tpu.memory_space<vmem_shared>> -> memref<10000x128xf32, #tpu.memory_space<vmem_shared>>
      tpu.enqueue_indirect_dma source(%arg11 : memref<80x128xf32, #tpu.memory_space<vmem>>) target(%dma_start3A_146 : memref<10000x128xf32, #tpu.memory_space<vmem_shared>>) offsets(%dma_start3A_143 : memref<80xi32, #tpu.memory_space<vmem>>) semaphore(%arg16 : memref<!tpu.dma_semaphore, #tpu.memory_space<semaphore_mem>>) {add = true}
      %dma_wait3A_147 = arith.constant 0 : i32
      %dma_wait3A_148 = arith.constant 0 : i32
      %dma_wait3A_149 = tpu.memref_slice %arg2[%dma_wait3A_147, %dma_wait3A_148] : memref<10000x128xf32, #tpu.memory_space<hbm>> -> memref<10000x128xf32, #tpu.memory_space<hbm>>
      tpu.wait_indirect_dma semaphore(%arg13 : memref<!tpu.dma_semaphore, #tpu.memory_space<semaphore_mem>>) src(%dma_wait3A_149 : memref<10000x128xf32, #tpu.memory_space<hbm>>) dst(%arg10 : memref<80x128xf32, #tpu.memory_space<vmem>>)
      %add3A_150 = arith.constant 2 : i32
      %add3A_151 = arith.addi %mul3A_113, %add3A_150 : i32
      %mul3A_152 = arith.constant 10000 : i32
      %mul3A_153 = arith.muli %add3A, %mul3A_152 : i32
      %mul3A_154 = arith.constant 80 : i32
      %mul3A_155 = arith.muli %add3A_151, %mul3A_154 : i32
      %add3A_156 = arith.addi %mul3A_153, %mul3A_155 : i32
      %dma_start3A_157 = tpu.memref_slice %arg4[%add3A_156] : memref<320000xi32, #tpu.memory_space<hbm>> -> memref<80xi32, #tpu.memory_space<hbm>>
      %dma_start3A_158 = tpu.memref_slice %arg4[%add3A_156] : memref<320000xi32, #tpu.memory_space<hbm>> -> memref<80xi32, #tpu.memory_space<hbm>>
      tpu.enqueue_dma source(%dma_start3A_158 : memref<80xi32, #tpu.memory_space<hbm>>) target(%arg7 : memref<80xi32, #tpu.memory_space<vmem>>) target_semaphore(%arg17 : memref<!tpu.dma_semaphore, #tpu.memory_space<semaphore_mem>>)
      %dma_wait3A_159 = arith.constant 0 : i32
      %dma_wait3A_160 = arith.constant 0 : i32
      %dma_wait3A_161 = tpu.memref_slice %arg9[%dma_wait3A_159, %dma_wait3A_160] : memref<125x80xi32, #tpu.memory_space<vmem>> -> memref<1x80xi32, #tpu.memory_space<vmem>>
      %dma_wait3A_162 = tpu.memref_squeeze %dma_wait3A_161 : memref<1x80xi32, #tpu.memory_space<vmem>> -> memref<80xi32, #tpu.memory_space<vmem>>
      %dma_wait3A_163 = arith.constant 0 : i32
      %dma_wait3A_164 = arith.constant 0 : i32
      %dma_wait3A_165 = tpu.memref_slice %arg12[%dma_wait3A_163, %dma_wait3A_164] : memref<10000x128xf32, #tpu.memory_space<vmem_shared>> -> memref<10000x128xf32, #tpu.memory_space<vmem_shared>>
      tpu.wait_indirect_dma semaphore(%arg16 : memref<!tpu.dma_semaphore, #tpu.memory_space<semaphore_mem>>) src(%arg11 : memref<80x128xf32, #tpu.memory_space<vmem>>) dst(%dma_wait3A_165 : memref<10000x128xf32, #tpu.memory_space<vmem_shared>>)
      %add3A_166 = arith.constant 1 : i32
      %add3A_167 = arith.addi %mul3A_113, %add3A_166 : i32
      %mul3A_168 = arith.constant 10000 : i32
      %mul3A_169 = arith.muli %add3A, %mul3A_168 : i32
      %dma_wait3A_170 = tpu.memref_slice %arg4[%mul3A_169] : memref<320000xi32, #tpu.memory_space<hbm>> -> memref<80xi32, #tpu.memory_space<hbm>>
      %dma_wait3A_171 = tpu.memref_slice %arg4[%mul3A_169] : memref<320000xi32, #tpu.memory_space<hbm>> -> memref<80xi32, #tpu.memory_space<hbm>>
      tpu.wait_dma2 semaphore(%arg18 : memref<!tpu.dma_semaphore, #tpu.memory_space<semaphore_mem>>) src(%dma_wait3A_171 : memref<80xi32, #tpu.memory_space<hbm>>) dst(%arg8 : memref<80xi32, #tpu.memory_space<vmem>>)
      %dma_start3A_172 = arith.constant 0 : i32
      %dma_start3A_173 = arith.constant 0 : i32
      %dma_start3A_174 = tpu.memref_slice %arg2[%dma_start3A_172, %dma_start3A_173] : memref<10000x128xf32, #tpu.memory_space<hbm>> -> memref<10000x128xf32, #tpu.memory_space<hbm>>
      tpu.enqueue_indirect_dma source(%dma_start3A_174 : memref<10000x128xf32, #tpu.memory_space<hbm>>) target(%arg11 : memref<80x128xf32, #tpu.memory_space<vmem>>) offsets(%arg8 : memref<80xi32, #tpu.memory_space<vmem>>) semaphore(%arg14 : memref<!tpu.dma_semaphore, #tpu.memory_space<semaphore_mem>>)
      %dma_start3A_175 = arith.constant 0 : i32
      %dma_start3A_176 = tpu.memref_slice %arg9[%mul3A_113, %dma_start3A_175] : memref<125x80xi32, #tpu.memory_space<vmem>> -> memref<1x80xi32, #tpu.memory_space<vmem>>
      %dma_start3A_177 = tpu.memref_squeeze %dma_start3A_176 : memref<1x80xi32, #tpu.memory_space<vmem>> -> memref<80xi32, #tpu.memory_space<vmem>>
      %dma_start3A_178 = arith.constant 0 : i32
      %dma_start3A_179 = arith.constant 0 : i32
      %dma_start3A_180 = tpu.memref_slice %arg12[%dma_start3A_178, %dma_start3A_179] : memref<10000x128xf32, #tpu.memory_space<vmem_shared>> -> memref<10000x128xf32, #tpu.memory_space<vmem_shared>>
      tpu.enqueue_indirect_dma source(%arg10 : memref<80x128xf32, #tpu.memory_space<vmem>>) target(%dma_start3A_180 : memref<10000x128xf32, #tpu.memory_space<vmem_shared>>) offsets(%dma_start3A_177 : memref<80xi32, #tpu.memory_space<vmem>>) semaphore(%arg15 : memref<!tpu.dma_semaphore, #tpu.memory_space<semaphore_mem>>) {add = true}
    }
    %scan3A_51 = arith.constant 61 : i32
    %dma_wait3A_52 = arith.constant 0 : i32
    %dma_wait3A_53 = arith.constant 0 : i32
    %dma_wait3A_54 = tpu.memref_slice %arg2[%dma_wait3A_52, %dma_wait3A_53] : memref<10000x128xf32, #tpu.memory_space<hbm>> -> memref<10000x128xf32, #tpu.memory_space<hbm>>
    tpu.wait_indirect_dma semaphore(%arg14 : memref<!tpu.dma_semaphore, #tpu.memory_space<semaphore_mem>>) src(%dma_wait3A_54 : memref<10000x128xf32, #tpu.memory_space<hbm>>) dst(%arg11 : memref<80x128xf32, #tpu.memory_space<vmem>>)
    %dma_wait3A_55 = arith.constant 0 : i32
    %dma_wait3A_56 = arith.constant 0 : i32
    %dma_wait3A_57 = tpu.memref_slice %arg9[%dma_wait3A_55, %dma_wait3A_56] : memref<125x80xi32, #tpu.memory_space<vmem>> -> memref<1x80xi32, #tpu.memory_space<vmem>>
    %dma_wait3A_58 = tpu.memref_squeeze %dma_wait3A_57 : memref<1x80xi32, #tpu.memory_space<vmem>> -> memref<80xi32, #tpu.memory_space<vmem>>
    %dma_wait3A_59 = arith.constant 0 : i32
    %dma_wait3A_60 = arith.constant 0 : i32
    %dma_wait3A_61 = tpu.memref_slice %arg12[%dma_wait3A_59, %dma_wait3A_60] : memref<10000x128xf32, #tpu.memory_space<vmem_shared>> -> memref<10000x128xf32, #tpu.memory_space<vmem_shared>>
    tpu.wait_indirect_dma semaphore(%arg15 : memref<!tpu.dma_semaphore, #tpu.memory_space<semaphore_mem>>) src(%arg10 : memref<80x128xf32, #tpu.memory_space<vmem>>) dst(%dma_wait3A_61 : memref<10000x128xf32, #tpu.memory_space<vmem_shared>>)
    %mul3A_62 = arith.constant 10000 : i32
    %mul3A_63 = arith.muli %add3A, %mul3A_62 : i32
    %dma_wait3A_64 = tpu.memref_slice %arg4[%mul3A_63] : memref<320000xi32, #tpu.memory_space<hbm>> -> memref<80xi32, #tpu.memory_space<hbm>>
    %dma_wait3A_65 = tpu.memref_slice %arg4[%mul3A_63] : memref<320000xi32, #tpu.memory_space<hbm>> -> memref<80xi32, #tpu.memory_space<hbm>>
    tpu.wait_dma2 semaphore(%arg17 : memref<!tpu.dma_semaphore, #tpu.memory_space<semaphore_mem>>) src(%dma_wait3A_65 : memref<80xi32, #tpu.memory_space<hbm>>) dst(%arg7 : memref<80xi32, #tpu.memory_space<vmem>>)
    %dma_start3A_66 = arith.constant 0 : i32
    %dma_start3A_67 = arith.constant 0 : i32
    %dma_start3A_68 = tpu.memref_slice %arg2[%dma_start3A_66, %dma_start3A_67] : memref<10000x128xf32, #tpu.memory_space<hbm>> -> memref<10000x128xf32, #tpu.memory_space<hbm>>
    tpu.enqueue_indirect_dma source(%dma_start3A_68 : memref<10000x128xf32, #tpu.memory_space<hbm>>) target(%arg10 : memref<80x128xf32, #tpu.memory_space<vmem>>) offsets(%arg7 : memref<80xi32, #tpu.memory_space<vmem>>) semaphore(%arg13 : memref<!tpu.dma_semaphore, #tpu.memory_space<semaphore_mem>>)
    %dma_start3A_69 = arith.constant 123 : i32
    %dma_start3A_70 = arith.constant 0 : i32
    %dma_start3A_71 = tpu.memref_slice %arg9[%dma_start3A_69, %dma_start3A_70] : memref<125x80xi32, #tpu.memory_space<vmem>> -> memref<1x80xi32, #tpu.memory_space<vmem>>
    %dma_start3A_72 = tpu.memref_squeeze %dma_start3A_71 : memref<1x80xi32, #tpu.memory_space<vmem>> -> memref<80xi32, #tpu.memory_space<vmem>>
    %dma_start3A_73 = arith.constant 0 : i32
    %dma_start3A_74 = arith.constant 0 : i32
    %dma_start3A_75 = tpu.memref_slice %arg12[%dma_start3A_73, %dma_start3A_74] : memref<10000x128xf32, #tpu.memory_space<vmem_shared>> -> memref<10000x128xf32, #tpu.memory_space<vmem_shared>>
    tpu.enqueue_indirect_dma source(%arg11 : memref<80x128xf32, #tpu.memory_space<vmem>>) target(%dma_start3A_75 : memref<10000x128xf32, #tpu.memory_space<vmem_shared>>) offsets(%dma_start3A_72 : memref<80xi32, #tpu.memory_space<vmem>>) semaphore(%arg16 : memref<!tpu.dma_semaphore, #tpu.memory_space<semaphore_mem>>) {add = true}
    %dma_wait3A_76 = arith.constant 0 : i32
    %dma_wait3A_77 = arith.constant 0 : i32
    %dma_wait3A_78 = tpu.memref_slice %arg2[%dma_wait3A_76, %dma_wait3A_77] : memref<10000x128xf32, #tpu.memory_space<hbm>> -> memref<10000x128xf32, #tpu.memory_space<hbm>>
    tpu.wait_indirect_dma semaphore(%arg13 : memref<!tpu.dma_semaphore, #tpu.memory_space<semaphore_mem>>) src(%dma_wait3A_78 : memref<10000x128xf32, #tpu.memory_space<hbm>>) dst(%arg10 : memref<80x128xf32, #tpu.memory_space<vmem>>)
    %dma_wait3A_79 = arith.constant 0 : i32
    %dma_wait3A_80 = arith.constant 0 : i32
    %dma_wait3A_81 = tpu.memref_slice %arg9[%dma_wait3A_79, %dma_wait3A_80] : memref<125x80xi32, #tpu.memory_space<vmem>> -> memref<1x80xi32, #tpu.memory_space<vmem>>
    %dma_wait3A_82 = tpu.memref_squeeze %dma_wait3A_81 : memref<1x80xi32, #tpu.memory_space<vmem>> -> memref<80xi32, #tpu.memory_space<vmem>>
    %dma_wait3A_83 = arith.constant 0 : i32
    %dma_wait3A_84 = arith.constant 0 : i32
    %dma_wait3A_85 = tpu.memref_slice %arg12[%dma_wait3A_83, %dma_wait3A_84] : memref<10000x128xf32, #tpu.memory_space<vmem_shared>> -> memref<10000x128xf32, #tpu.memory_space<vmem_shared>>
    tpu.wait_indirect_dma semaphore(%arg16 : memref<!tpu.dma_semaphore, #tpu.memory_space<semaphore_mem>>) src(%arg11 : memref<80x128xf32, #tpu.memory_space<vmem>>) dst(%dma_wait3A_85 : memref<10000x128xf32, #tpu.memory_space<vmem_shared>>)
    %dma_start3A_86 = arith.constant 124 : i32
    %dma_start3A_87 = arith.constant 0 : i32
    %dma_start3A_88 = tpu.memref_slice %arg9[%dma_start3A_86, %dma_start3A_87] : memref<125x80xi32, #tpu.memory_space<vmem>> -> memref<1x80xi32, #tpu.memory_space<vmem>>
    %dma_start3A_89 = tpu.memref_squeeze %dma_start3A_88 : memref<1x80xi32, #tpu.memory_space<vmem>> -> memref<80xi32, #tpu.memory_space<vmem>>
    %dma_start3A_90 = arith.constant 0 : i32
    %dma_start3A_91 = arith.constant 0 : i32
    %dma_start3A_92 = tpu.memref_slice %arg12[%dma_start3A_90, %dma_start3A_91] : memref<10000x128xf32, #tpu.memory_space<vmem_shared>> -> memref<10000x128xf32, #tpu.memory_space<vmem_shared>>
    tpu.enqueue_indirect_dma source(%arg10 : memref<80x128xf32, #tpu.memory_space<vmem>>) target(%dma_start3A_92 : memref<10000x128xf32, #tpu.memory_space<vmem_shared>>) offsets(%dma_start3A_89 : memref<80xi32, #tpu.memory_space<vmem>>) semaphore(%arg15 : memref<!tpu.dma_semaphore, #tpu.memory_space<semaphore_mem>>) {add = true}
    %dma_wait3A_93 = arith.constant 0 : i32
    %dma_wait3A_94 = arith.constant 0 : i32
    %dma_wait3A_95 = tpu.memref_slice %arg9[%dma_wait3A_93, %dma_wait3A_94] : memref<125x80xi32, #tpu.memory_space<vmem>> -> memref<1x80xi32, #tpu.memory_space<vmem>>
    %dma_wait3A_96 = tpu.memref_squeeze %dma_wait3A_95 : memref<1x80xi32, #tpu.memory_space<vmem>> -> memref<80xi32, #tpu.memory_space<vmem>>
    %dma_wait3A_97 = arith.constant 0 : i32
    %dma_wait3A_98 = arith.constant 0 : i32
    %dma_wait3A_99 = tpu.memref_slice %arg12[%dma_wait3A_97, %dma_wait3A_98] : memref<10000x128xf32, #tpu.memory_space<vmem_shared>> -> memref<10000x128xf32, #tpu.memory_space<vmem_shared>>
    tpu.wait_indirect_dma semaphore(%arg15 : memref<!tpu.dma_semaphore, #tpu.memory_space<semaphore_mem>>) src(%arg10 : memref<80x128xf32, #tpu.memory_space<vmem>>) dst(%dma_wait3A_99 : memref<10000x128xf32, #tpu.memory_space<vmem_shared>>)
    %barrier3A_100 = arith.constant 0 : index
    tpu.barrier barrier_id(%barrier3A_100)
    %eq3A_101 = arith.constant 0 : i32
    %eq3A_102 = arith.cmpi eq, %arg1, %eq3A_101 : i32
    %convert_element_type3A_103 = arith.extui %eq3A_102 : i1 to i32
    %cond3A_104 = arith.constant 0 : i32
    %cond3A_105 = arith.cmpi ne, %convert_element_type3A_103, %cond3A_104 : i32
    scf.if %cond3A_105 {
      %mul3A_111 = arith.constant 10000 : i32
      %mul3A_112 = arith.muli %arg0, %mul3A_111 : i32
      %add3A_113 = arith.constant 0 : i32
      %add3A_114 = arith.addi %mul3A_112, %add3A_113 : i32
      "tpu.region"() ({
        %run_scoped3A = tpu.sem_alloc : memref<!tpu.dma_semaphore, #tpu.memory_space<semaphore_mem>>
        %dma_start3A_115 = arith.constant 0 : i32
        %dma_start3A_116 = tpu.memref_slice %arg6[%add3A_114, %dma_start3A_115] : memref<20000x128xf32, #tpu.memory_space<hbm>> -> memref<640x128xf32, #tpu.memory_space<hbm>>
        %dma_start3A_117 = arith.constant 0 : i32
        %dma_start3A_118 = arith.constant 0 : i32
        %dma_start3A_119 = tpu.memref_slice %arg12[%dma_start3A_117, %dma_start3A_118] : memref<10000x128xf32, #tpu.memory_space<vmem_shared>> -> memref<640x128xf32, #tpu.memory_space<vmem_shared>>
        tpu.enqueue_dma source(%dma_start3A_119 : memref<640x128xf32, #tpu.memory_space<vmem_shared>>) target(%dma_start3A_116 : memref<640x128xf32, #tpu.memory_space<hbm>>) target_semaphore(%run_scoped3A : memref<!tpu.dma_semaphore, #tpu.memory_space<semaphore_mem>>)
        %dma_wait3A_120 = arith.constant 0 : i32
        %dma_wait3A_121 = tpu.memref_slice %arg6[%add3A_114, %dma_wait3A_120] : memref<20000x128xf32, #tpu.memory_space<hbm>> -> memref<640x128xf32, #tpu.memory_space<hbm>>
        %dma_wait3A_122 = arith.constant 0 : i32
        %dma_wait3A_123 = arith.constant 0 : i32
        %dma_wait3A_124 = tpu.memref_slice %arg12[%dma_wait3A_122, %dma_wait3A_123] : memref<10000x128xf32, #tpu.memory_space<vmem_shared>> -> memref<640x128xf32, #tpu.memory_space<vmem_shared>>
        tpu.wait_dma2 semaphore(%run_scoped3A : memref<!tpu.dma_semaphore, #tpu.memory_space<semaphore_mem>>) src(%dma_wait3A_124 : memref<640x128xf32, #tpu.memory_space<vmem_shared>>) dst(%dma_wait3A_121 : memref<640x128xf32, #tpu.memory_space<hbm>>)
        tpu.yield
      }) : () -> ()
    } else {
    }
    %gt3A_106 = arith.constant 0 : i32
    %gt3A_107 = arith.cmpi sgt, %arg1, %gt3A_106 : i32
    %convert_element_type3A_108 = arith.extui %gt3A_107 : i1 to i32
    %cond3A_109 = arith.constant 0 : i32
    %cond3A_110 = arith.cmpi ne, %convert_element_type3A_108, %cond3A_109 : i32
    scf.if %cond3A_110 {
      %sub3A = arith.constant 1 : i32
      %sub3A_111 = arith.subi %arg1, %sub3A : i32
      %mul3A_112 = arith.constant 624 : i32
      %mul3A_113 = arith.muli %sub3A_111, %mul3A_112 : i32
      %add3A_114 = arith.constant 640 : i32
      %add3A_115 = arith.addi %add3A_114, %mul3A_113 : i32
      %mul3A_116 = arith.constant 10000 : i32
      %mul3A_117 = arith.muli %arg0, %mul3A_116 : i32
      %add3A_118 = arith.addi %mul3A_117, %add3A_115 : i32
      "tpu.region"() ({
        %run_scoped3A = tpu.sem_alloc : memref<!tpu.dma_semaphore, #tpu.memory_space<semaphore_mem>>
        %dma_start3A_119 = arith.constant 0 : i32
        %dma_start3A_120 = tpu.memref_slice %arg6[%add3A_118, %dma_start3A_119] : memref<20000x128xf32, #tpu.memory_space<hbm>> -> memref<624x128xf32, #tpu.memory_space<hbm>>
        %dma_start3A_121 = arith.constant 0 : i32
        %dma_start3A_122 = tpu.memref_slice %arg12[%add3A_115, %dma_start3A_121] : memref<10000x128xf32, #tpu.memory_space<vmem_shared>> -> memref<624x128xf32, #tpu.memory_space<vmem_shared>>
        tpu.enqueue_dma source(%dma_start3A_122 : memref<624x128xf32, #tpu.memory_space<vmem_shared>>) target(%dma_start3A_120 : memref<624x128xf32, #tpu.memory_space<hbm>>) target_semaphore(%run_scoped3A : memref<!tpu.dma_semaphore, #tpu.memory_space<semaphore_mem>>)
        %dma_wait3A_123 = arith.constant 0 : i32
        %dma_wait3A_124 = tpu.memref_slice %arg6[%add3A_118, %dma_wait3A_123] : memref<20000x128xf32, #tpu.memory_space<hbm>> -> memref<624x128xf32, #tpu.memory_space<hbm>>
        %dma_wait3A_125 = arith.constant 0 : i32
        %dma_wait3A_126 = tpu.memref_slice %arg12[%add3A_115, %dma_wait3A_125] : memref<10000x128xf32, #tpu.memory_space<vmem_shared>> -> memref<624x128xf32, #tpu.memory_space<vmem_shared>>
        tpu.wait_dma2 semaphore(%run_scoped3A : memref<!tpu.dma_semaphore, #tpu.memory_space<semaphore_mem>>) src(%dma_wait3A_126 : memref<624x128xf32, #tpu.memory_space<vmem_shared>>) dst(%dma_wait3A_124 : memref<624x128xf32, #tpu.memory_space<hbm>>)
        tpu.yield
      }) : () -> ()
    } else {
    }
    return
  }
}

#map = affine_map<(d0, d1) -> (0, 0)>
#map1 = affine_map<(d0, d1) -> (0)>
#map2 = affine_map<(d0, d1) -> (0, 0, 0)>
module attributes {stable_mosaic.version = 14 : i64} {
  func.func @_edge_body(%arg0: i32, %arg1: i32, %arg2: memref<10000x128xf32, #tpu.memory_space<hbm>>, %arg3: memref<10000x128xf32, #tpu.memory_space<hbm>>, %arg4: memref<320000xi32, #tpu.memory_space<hbm>>, %arg5: memref<32x125x80xi32, #tpu.memory_space<hbm>>, %arg6: memref<20000x128xf32, #tpu.memory_space<hbm>>, %arg7: memref<80xi32, #tpu.memory_space<vmem>>, %arg8: memref<80xi32, #tpu.memory_space<vmem>>, %arg9: memref<125x80xi32, #tpu.memory_space<vmem>>, %arg10: memref<80x128xf32, #tpu.memory_space<vmem>>, %arg11: memref<80x128xf32, #tpu.memory_space<vmem>>, %arg12: memref<10000x128xf32, #tpu.memory_space<vmem_shared>>, %arg13: memref<!tpu.dma_semaphore, #tpu.memory_space<semaphore_mem>>, %arg14: memref<!tpu.dma_semaphore, #tpu.memory_space<semaphore_mem>>, %arg15: memref<!tpu.dma_semaphore, #tpu.memory_space<semaphore_mem>>, %arg16: memref<!tpu.dma_semaphore, #tpu.memory_space<semaphore_mem>>, %arg17: memref<!tpu.dma_semaphore, #tpu.memory_space<semaphore_mem>>, %arg18: memref<!tpu.dma_semaphore, #tpu.memory_space<semaphore_mem>>) attributes {dimension_semantics = [#tpu.dimension_semantics<core_parallel>, #tpu.dimension_semantics<subcore_parallel>], iteration_bounds = array<i64: 2, 16>, scalar_prefetch = 0 : i64, scratch_operands = 12 : i64, tpu.core_type = #tpu.core_type<sc_vector_subcore>, window_params = [{transform_indices = #map}, {transform_indices = #map}, {transform_indices = #map1}, {transform_indices = #map2}, {transform_indices = #map}]} {
    %mul3A = arith.constant 16 : i32
    %mul3A_0 = arith.muli %arg0, %mul3A : i32
    %add3A = arith.addi %mul3A_0, %arg1 : i32
    %eq3A = arith.constant 0 : i32
    %eq3A_1 = arith.cmpi eq, %arg1, %eq3A : i32
    %convert_element_type3A = arith.extui %eq3A_1 : i1 to i32
    %cond3A = arith.constant 0 : i32
    %cond3A_2 = arith.cmpi ne, %convert_element_type3A, %cond3A : i32
    scf.if %cond3A_2 {
      %eq3A_111 = arith.constant 0 : i32
      %eq3A_112 = arith.cmpi eq, %arg0, %eq3A_111 : i32
      %convert_element_type3A_113 = arith.extui %eq3A_112 : i1 to i32
      %cond3A_114 = arith.constant 0 : i32
      %cond3A_115 = arith.cmpi ne, %convert_element_type3A_113, %cond3A_114 : i32
      scf.if %cond3A_115 {
        "tpu.region"() ({
          %run_scoped3A = tpu.sem_alloc : memref<!tpu.dma_semaphore, #tpu.memory_space<semaphore_mem>>
          %dma_start3A_121 = arith.constant 0 : i32
          %dma_start3A_122 = arith.constant 0 : i32
          %dma_start3A_123 = tpu.memref_slice %arg12[%dma_start3A_121, %dma_start3A_122] : memref<10000x128xf32, #tpu.memory_space<vmem_shared>> -> memref<640x128xf32, #tpu.memory_space<vmem_shared>>
          %dma_start3A_124 = arith.constant 0 : i32
          %dma_start3A_125 = arith.constant 0 : i32
          %dma_start3A_126 = tpu.memref_slice %arg2[%dma_start3A_124, %dma_start3A_125] : memref<10000x128xf32, #tpu.memory_space<hbm>> -> memref<640x128xf32, #tpu.memory_space<hbm>>
          tpu.enqueue_dma source(%dma_start3A_126 : memref<640x128xf32, #tpu.memory_space<hbm>>) target(%dma_start3A_123 : memref<640x128xf32, #tpu.memory_space<vmem_shared>>) target_semaphore(%run_scoped3A : memref<!tpu.dma_semaphore, #tpu.memory_space<semaphore_mem>>)
          %dma_wait3A_127 = arith.constant 0 : i32
          %dma_wait3A_128 = arith.constant 0 : i32
          %dma_wait3A_129 = tpu.memref_slice %arg12[%dma_wait3A_127, %dma_wait3A_128] : memref<10000x128xf32, #tpu.memory_space<vmem_shared>> -> memref<640x128xf32, #tpu.memory_space<vmem_shared>>
          %dma_wait3A_130 = arith.constant 0 : i32
          %dma_wait3A_131 = arith.constant 0 : i32
          %dma_wait3A_132 = tpu.memref_slice %arg2[%dma_wait3A_130, %dma_wait3A_131] : memref<10000x128xf32, #tpu.memory_space<hbm>> -> memref<640x128xf32, #tpu.memory_space<hbm>>
          tpu.wait_dma2 semaphore(%run_scoped3A : memref<!tpu.dma_semaphore, #tpu.memory_space<semaphore_mem>>) src(%dma_wait3A_132 : memref<640x128xf32, #tpu.memory_space<hbm>>) dst(%dma_wait3A_129 : memref<640x128xf32, #tpu.memory_space<vmem_shared>>)
          tpu.yield
        }) : () -> ()
      } else {
      }
      %eq3A_116 = arith.constant 1 : i32
      %eq3A_117 = arith.cmpi eq, %arg0, %eq3A_116 : i32
      %convert_element_type3A_118 = arith.extui %eq3A_117 : i1 to i32
      %cond3A_119 = arith.constant 0 : i32
      %cond3A_120 = arith.cmpi ne, %convert_element_type3A_118, %cond3A_119 : i32
      scf.if %cond3A_120 {
        "tpu.region"() ({
          %run_scoped3A = tpu.sem_alloc : memref<!tpu.dma_semaphore, #tpu.memory_space<semaphore_mem>>
          %dma_start3A_121 = arith.constant 0 : i32
          %dma_start3A_122 = arith.constant 0 : i32
          %dma_start3A_123 = tpu.memref_slice %arg12[%dma_start3A_121, %dma_start3A_122] : memref<10000x128xf32, #tpu.memory_space<vmem_shared>> -> memref<640x128xf32, #tpu.memory_space<vmem_shared>>
          %dma_start3A_124 = arith.constant 0 : i32
          %dma_start3A_125 = arith.constant 0 : i32
          %dma_start3A_126 = tpu.memref_slice %arg3[%dma_start3A_124, %dma_start3A_125] : memref<10000x128xf32, #tpu.memory_space<hbm>> -> memref<640x128xf32, #tpu.memory_space<hbm>>
          tpu.enqueue_dma source(%dma_start3A_126 : memref<640x128xf32, #tpu.memory_space<hbm>>) target(%dma_start3A_123 : memref<640x128xf32, #tpu.memory_space<vmem_shared>>) target_semaphore(%run_scoped3A : memref<!tpu.dma_semaphore, #tpu.memory_space<semaphore_mem>>)
          %dma_wait3A_127 = arith.constant 0 : i32
          %dma_wait3A_128 = arith.constant 0 : i32
          %dma_wait3A_129 = tpu.memref_slice %arg12[%dma_wait3A_127, %dma_wait3A_128] : memref<10000x128xf32, #tpu.memory_space<vmem_shared>> -> memref<640x128xf32, #tpu.memory_space<vmem_shared>>
          %dma_wait3A_130 = arith.constant 0 : i32
          %dma_wait3A_131 = arith.constant 0 : i32
          %dma_wait3A_132 = tpu.memref_slice %arg3[%dma_wait3A_130, %dma_wait3A_131] : memref<10000x128xf32, #tpu.memory_space<hbm>> -> memref<640x128xf32, #tpu.memory_space<hbm>>
          tpu.wait_dma2 semaphore(%run_scoped3A : memref<!tpu.dma_semaphore, #tpu.memory_space<semaphore_mem>>) src(%dma_wait3A_132 : memref<640x128xf32, #tpu.memory_space<hbm>>) dst(%dma_wait3A_129 : memref<640x128xf32, #tpu.memory_space<vmem_shared>>)
          tpu.yield
        }) : () -> ()
      } else {
      }
    } else {
    }
    %gt3A = arith.constant 0 : i32
    %gt3A_3 = arith.cmpi sgt, %arg1, %gt3A : i32
    %convert_element_type3A_4 = arith.extui %gt3A_3 : i1 to i32
    %cond3A_5 = arith.constant 0 : i32
    %cond3A_6 = arith.cmpi ne, %convert_element_type3A_4, %cond3A_5 : i32
    scf.if %cond3A_6 {
      %sub3A = arith.constant 1 : i32
      %sub3A_111 = arith.subi %arg1, %sub3A : i32
      %mul3A_112 = arith.constant 624 : i32
      %mul3A_113 = arith.muli %sub3A_111, %mul3A_112 : i32
      %add3A_114 = arith.constant 640 : i32
      %add3A_115 = arith.addi %add3A_114, %mul3A_113 : i32
      %eq3A_116 = arith.constant 0 : i32
      %eq3A_117 = arith.cmpi eq, %arg0, %eq3A_116 : i32
      %convert_element_type3A_118 = arith.extui %eq3A_117 : i1 to i32
      %cond3A_119 = arith.constant 0 : i32
      %cond3A_120 = arith.cmpi ne, %convert_element_type3A_118, %cond3A_119 : i32
      scf.if %cond3A_120 {
        "tpu.region"() ({
          %run_scoped3A = tpu.sem_alloc : memref<!tpu.dma_semaphore, #tpu.memory_space<semaphore_mem>>
          %dma_start3A_126 = arith.constant 0 : i32
          %dma_start3A_127 = tpu.memref_slice %arg12[%add3A_115, %dma_start3A_126] : memref<10000x128xf32, #tpu.memory_space<vmem_shared>> -> memref<624x128xf32, #tpu.memory_space<vmem_shared>>
          %dma_start3A_128 = arith.constant 0 : i32
          %dma_start3A_129 = tpu.memref_slice %arg2[%add3A_115, %dma_start3A_128] : memref<10000x128xf32, #tpu.memory_space<hbm>> -> memref<624x128xf32, #tpu.memory_space<hbm>>
          tpu.enqueue_dma source(%dma_start3A_129 : memref<624x128xf32, #tpu.memory_space<hbm>>) target(%dma_start3A_127 : memref<624x128xf32, #tpu.memory_space<vmem_shared>>) target_semaphore(%run_scoped3A : memref<!tpu.dma_semaphore, #tpu.memory_space<semaphore_mem>>)
          %dma_wait3A_130 = arith.constant 0 : i32
          %dma_wait3A_131 = tpu.memref_slice %arg12[%add3A_115, %dma_wait3A_130] : memref<10000x128xf32, #tpu.memory_space<vmem_shared>> -> memref<624x128xf32, #tpu.memory_space<vmem_shared>>
          %dma_wait3A_132 = arith.constant 0 : i32
          %dma_wait3A_133 = tpu.memref_slice %arg2[%add3A_115, %dma_wait3A_132] : memref<10000x128xf32, #tpu.memory_space<hbm>> -> memref<624x128xf32, #tpu.memory_space<hbm>>
          tpu.wait_dma2 semaphore(%run_scoped3A : memref<!tpu.dma_semaphore, #tpu.memory_space<semaphore_mem>>) src(%dma_wait3A_133 : memref<624x128xf32, #tpu.memory_space<hbm>>) dst(%dma_wait3A_131 : memref<624x128xf32, #tpu.memory_space<vmem_shared>>)
          tpu.yield
        }) : () -> ()
      } else {
      }
      %eq3A_121 = arith.constant 1 : i32
      %eq3A_122 = arith.cmpi eq, %arg0, %eq3A_121 : i32
      %convert_element_type3A_123 = arith.extui %eq3A_122 : i1 to i32
      %cond3A_124 = arith.constant 0 : i32
      %cond3A_125 = arith.cmpi ne, %convert_element_type3A_123, %cond3A_124 : i32
      scf.if %cond3A_125 {
        "tpu.region"() ({
          %run_scoped3A = tpu.sem_alloc : memref<!tpu.dma_semaphore, #tpu.memory_space<semaphore_mem>>
          %dma_start3A_126 = arith.constant 0 : i32
          %dma_start3A_127 = tpu.memref_slice %arg12[%add3A_115, %dma_start3A_126] : memref<10000x128xf32, #tpu.memory_space<vmem_shared>> -> memref<624x128xf32, #tpu.memory_space<vmem_shared>>
          %dma_start3A_128 = arith.constant 0 : i32
          %dma_start3A_129 = tpu.memref_slice %arg3[%add3A_115, %dma_start3A_128] : memref<10000x128xf32, #tpu.memory_space<hbm>> -> memref<624x128xf32, #tpu.memory_space<hbm>>
          tpu.enqueue_dma source(%dma_start3A_129 : memref<624x128xf32, #tpu.memory_space<hbm>>) target(%dma_start3A_127 : memref<624x128xf32, #tpu.memory_space<vmem_shared>>) target_semaphore(%run_scoped3A : memref<!tpu.dma_semaphore, #tpu.memory_space<semaphore_mem>>)
          %dma_wait3A_130 = arith.constant 0 : i32
          %dma_wait3A_131 = tpu.memref_slice %arg12[%add3A_115, %dma_wait3A_130] : memref<10000x128xf32, #tpu.memory_space<vmem_shared>> -> memref<624x128xf32, #tpu.memory_space<vmem_shared>>
          %dma_wait3A_132 = arith.constant 0 : i32
          %dma_wait3A_133 = tpu.memref_slice %arg3[%add3A_115, %dma_wait3A_132] : memref<10000x128xf32, #tpu.memory_space<hbm>> -> memref<624x128xf32, #tpu.memory_space<hbm>>
          tpu.wait_dma2 semaphore(%run_scoped3A : memref<!tpu.dma_semaphore, #tpu.memory_space<semaphore_mem>>) src(%dma_wait3A_133 : memref<624x128xf32, #tpu.memory_space<hbm>>) dst(%dma_wait3A_131 : memref<624x128xf32, #tpu.memory_space<vmem_shared>>)
          tpu.yield
        }) : () -> ()
      } else {
      }
    } else {
    }
    "tpu.region"() ({
      %run_scoped3A = tpu.sem_alloc : memref<!tpu.dma_semaphore, #tpu.memory_space<semaphore_mem>>
      %dma_start3A_111 = arith.constant 0 : i32
      %dma_start3A_112 = arith.constant 0 : i32
      %dma_start3A_113 = tpu.memref_slice %arg5[%add3A, %dma_start3A_111, %dma_start3A_112] : memref<32x125x80xi32, #tpu.memory_space<hbm>> -> memref<1x125x80xi32, #tpu.memory_space<hbm>>
      %dma_start3A_114 = tpu.memref_squeeze %dma_start3A_113 : memref<1x125x80xi32, #tpu.memory_space<hbm>> -> memref<125x80xi32, #tpu.memory_space<hbm>>
      %dma_start3A_115 = arith.constant 0 : i32
      %dma_start3A_116 = arith.constant 0 : i32
      %dma_start3A_117 = tpu.memref_slice %arg5[%add3A, %dma_start3A_115, %dma_start3A_116] : memref<32x125x80xi32, #tpu.memory_space<hbm>> -> memref<1x125x80xi32, #tpu.memory_space<hbm>>
      %dma_start3A_118 = tpu.memref_squeeze %dma_start3A_117 : memref<1x125x80xi32, #tpu.memory_space<hbm>> -> memref<125x80xi32, #tpu.memory_space<hbm>>
      tpu.enqueue_dma source(%dma_start3A_118 : memref<125x80xi32, #tpu.memory_space<hbm>>) target(%arg9 : memref<125x80xi32, #tpu.memory_space<vmem>>) target_semaphore(%run_scoped3A : memref<!tpu.dma_semaphore, #tpu.memory_space<semaphore_mem>>)
      %dma_wait3A_119 = arith.constant 0 : i32
      %dma_wait3A_120 = arith.constant 0 : i32
      %dma_wait3A_121 = tpu.memref_slice %arg5[%add3A, %dma_wait3A_119, %dma_wait3A_120] : memref<32x125x80xi32, #tpu.memory_space<hbm>> -> memref<1x125x80xi32, #tpu.memory_space<hbm>>
      %dma_wait3A_122 = tpu.memref_squeeze %dma_wait3A_121 : memref<1x125x80xi32, #tpu.memory_space<hbm>> -> memref<125x80xi32, #tpu.memory_space<hbm>>
      %dma_wait3A_123 = arith.constant 0 : i32
      %dma_wait3A_124 = arith.constant 0 : i32
      %dma_wait3A_125 = tpu.memref_slice %arg5[%add3A, %dma_wait3A_123, %dma_wait3A_124] : memref<32x125x80xi32, #tpu.memory_space<hbm>> -> memref<1x125x80xi32, #tpu.memory_space<hbm>>
      %dma_wait3A_126 = tpu.memref_squeeze %dma_wait3A_125 : memref<1x125x80xi32, #tpu.memory_space<hbm>> -> memref<125x80xi32, #tpu.memory_space<hbm>>
      tpu.wait_dma2 semaphore(%run_scoped3A : memref<!tpu.dma_semaphore, #tpu.memory_space<semaphore_mem>>) src(%dma_wait3A_126 : memref<125x80xi32, #tpu.memory_space<hbm>>) dst(%arg9 : memref<125x80xi32, #tpu.memory_space<vmem>>)
      tpu.yield
    }) : () -> ()
    %barrier3A = arith.constant 0 : index
    tpu.barrier barrier_id(%barrier3A)
    %mul3A_7 = arith.constant 10000 : i32
    %mul3A_8 = arith.muli %add3A, %mul3A_7 : i32
    %add3A_9 = arith.constant 0 : i32
    %add3A_10 = arith.addi %mul3A_8, %add3A_9 : i32
    %dma_start3A = tpu.memref_slice %arg4[%add3A_10] : memref<320000xi32, #tpu.memory_space<hbm>> -> memref<80xi32, #tpu.memory_space<hbm>>
    %dma_start3A_11 = tpu.memref_slice %arg4[%add3A_10] : memref<320000xi32, #tpu.memory_space<hbm>> -> memref<80xi32, #tpu.memory_space<hbm>>
    tpu.enqueue_dma source(%dma_start3A_11 : memref<80xi32, #tpu.memory_space<hbm>>) target(%arg7 : memref<80xi32, #tpu.memory_space<vmem>>) target_semaphore(%arg17 : memref<!tpu.dma_semaphore, #tpu.memory_space<semaphore_mem>>)
    %mul3A_12 = arith.constant 10000 : i32
    %mul3A_13 = arith.muli %add3A, %mul3A_12 : i32
    %add3A_14 = arith.constant 80 : i32
    %add3A_15 = arith.addi %mul3A_13, %add3A_14 : i32
    %dma_start3A_16 = tpu.memref_slice %arg4[%add3A_15] : memref<320000xi32, #tpu.memory_space<hbm>> -> memref<80xi32, #tpu.memory_space<hbm>>
    %dma_start3A_17 = tpu.memref_slice %arg4[%add3A_15] : memref<320000xi32, #tpu.memory_space<hbm>> -> memref<80xi32, #tpu.memory_space<hbm>>
    tpu.enqueue_dma source(%dma_start3A_17 : memref<80xi32, #tpu.memory_space<hbm>>) target(%arg8 : memref<80xi32, #tpu.memory_space<vmem>>) target_semaphore(%arg18 : memref<!tpu.dma_semaphore, #tpu.memory_space<semaphore_mem>>)
    %mul3A_18 = arith.constant 10000 : i32
    %mul3A_19 = arith.muli %add3A, %mul3A_18 : i32
    %dma_wait3A = tpu.memref_slice %arg4[%mul3A_19] : memref<320000xi32, #tpu.memory_space<hbm>> -> memref<80xi32, #tpu.memory_space<hbm>>
    %dma_wait3A_20 = tpu.memref_slice %arg4[%mul3A_19] : memref<320000xi32, #tpu.memory_space<hbm>> -> memref<80xi32, #tpu.memory_space<hbm>>
    tpu.wait_dma2 semaphore(%arg17 : memref<!tpu.dma_semaphore, #tpu.memory_space<semaphore_mem>>) src(%dma_wait3A_20 : memref<80xi32, #tpu.memory_space<hbm>>) dst(%arg7 : memref<80xi32, #tpu.memory_space<vmem>>)
    %dma_start3A_21 = arith.constant 0 : i32
    %dma_start3A_22 = arith.constant 0 : i32
    %dma_start3A_23 = tpu.memref_slice %arg2[%dma_start3A_21, %dma_start3A_22] : memref<10000x128xf32, #tpu.memory_space<hbm>> -> memref<10000x128xf32, #tpu.memory_space<hbm>>
    tpu.enqueue_indirect_dma source(%dma_start3A_23 : memref<10000x128xf32, #tpu.memory_space<hbm>>) target(%arg10 : memref<80x128xf32, #tpu.memory_space<vmem>>) offsets(%arg7 : memref<80xi32, #tpu.memory_space<vmem>>) semaphore(%arg13 : memref<!tpu.dma_semaphore, #tpu.memory_space<semaphore_mem>>)
    %dma_wait3A_24 = arith.constant 0 : i32
    %dma_wait3A_25 = arith.constant 0 : i32
    %dma_wait3A_26 = tpu.memref_slice %arg2[%dma_wait3A_24, %dma_wait3A_25] : memref<10000x128xf32, #tpu.memory_space<hbm>> -> memref<10000x128xf32, #tpu.memory_space<hbm>>
    tpu.wait_indirect_dma semaphore(%arg13 : memref<!tpu.dma_semaphore, #tpu.memory_space<semaphore_mem>>) src(%dma_wait3A_26 : memref<10000x128xf32, #tpu.memory_space<hbm>>) dst(%arg10 : memref<80x128xf32, #tpu.memory_space<vmem>>)
    %mul3A_27 = arith.constant 10000 : i32
    %mul3A_28 = arith.muli %add3A, %mul3A_27 : i32
    %add3A_29 = arith.constant 160 : i32
    %add3A_30 = arith.addi %mul3A_28, %add3A_29 : i32
    %dma_start3A_31 = tpu.memref_slice %arg4[%add3A_30] : memref<320000xi32, #tpu.memory_space<hbm>> -> memref<80xi32, #tpu.memory_space<hbm>>
    %dma_start3A_32 = tpu.memref_slice %arg4[%add3A_30] : memref<320000xi32, #tpu.memory_space<hbm>> -> memref<80xi32, #tpu.memory_space<hbm>>
    tpu.enqueue_dma source(%dma_start3A_32 : memref<80xi32, #tpu.memory_space<hbm>>) target(%arg7 : memref<80xi32, #tpu.memory_space<vmem>>) target_semaphore(%arg17 : memref<!tpu.dma_semaphore, #tpu.memory_space<semaphore_mem>>)
    %mul3A_33 = arith.constant 10000 : i32
    %mul3A_34 = arith.muli %add3A, %mul3A_33 : i32
    %dma_wait3A_35 = tpu.memref_slice %arg4[%mul3A_34] : memref<320000xi32, #tpu.memory_space<hbm>> -> memref<80xi32, #tpu.memory_space<hbm>>
    %dma_wait3A_36 = tpu.memref_slice %arg4[%mul3A_34] : memref<320000xi32, #tpu.memory_space<hbm>> -> memref<80xi32, #tpu.memory_space<hbm>>
    tpu.wait_dma2 semaphore(%arg18 : memref<!tpu.dma_semaphore, #tpu.memory_space<semaphore_mem>>) src(%dma_wait3A_36 : memref<80xi32, #tpu.memory_space<hbm>>) dst(%arg8 : memref<80xi32, #tpu.memory_space<vmem>>)
    %dma_start3A_37 = arith.constant 0 : i32
    %dma_start3A_38 = arith.constant 0 : i32
    %dma_start3A_39 = tpu.memref_slice %arg2[%dma_start3A_37, %dma_start3A_38] : memref<10000x128xf32, #tpu.memory_space<hbm>> -> memref<10000x128xf32, #tpu.memory_space<hbm>>
    tpu.enqueue_indirect_dma source(%dma_start3A_39 : memref<10000x128xf32, #tpu.memory_space<hbm>>) target(%arg11 : memref<80x128xf32, #tpu.memory_space<vmem>>) offsets(%arg8 : memref<80xi32, #tpu.memory_space<vmem>>) semaphore(%arg14 : memref<!tpu.dma_semaphore, #tpu.memory_space<semaphore_mem>>)
    %dma_start3A_40 = arith.constant 0 : i32
    %dma_start3A_41 = arith.constant 0 : i32
    %dma_start3A_42 = tpu.memref_slice %arg9[%dma_start3A_40, %dma_start3A_41] : memref<125x80xi32, #tpu.memory_space<vmem>> -> memref<1x80xi32, #tpu.memory_space<vmem>>
    %dma_start3A_43 = tpu.memref_squeeze %dma_start3A_42 : memref<1x80xi32, #tpu.memory_space<vmem>> -> memref<80xi32, #tpu.memory_space<vmem>>
    %dma_start3A_44 = arith.constant 0 : i32
    %dma_start3A_45 = arith.constant 0 : i32
    %dma_start3A_46 = tpu.memref_slice %arg12[%dma_start3A_44, %dma_start3A_45] : memref<10000x128xf32, #tpu.memory_space<vmem_shared>> -> memref<10000x128xf32, #tpu.memory_space<vmem_shared>>
    tpu.enqueue_indirect_dma source(%arg10 : memref<80x128xf32, #tpu.memory_space<vmem>>) target(%dma_start3A_46 : memref<10000x128xf32, #tpu.memory_space<vmem_shared>>) offsets(%dma_start3A_43 : memref<80xi32, #tpu.memory_space<vmem>>) semaphore(%arg15 : memref<!tpu.dma_semaphore, #tpu.memory_space<semaphore_mem>>) {add = true}
    %scan3A = arith.constant 0 : i32
    %scan3A_47 = arith.constant 1 : i32
    %scan3A_48 = arith.constant 61 : i32
    %scan3A_49 = arith.addi %scan3A_47, %scan3A_48 : i32
    %scan3A_50 = arith.constant 1 : i32
    scf.for %scan3A_111 = %scan3A_47 to %scan3A_49 step %scan3A_50  : i32 {
      %mul3A_112 = arith.constant 2 : i32
      %mul3A_113 = arith.muli %mul3A_112, %scan3A_111 : i32
      %dma_wait3A_114 = arith.constant 0 : i32
      %dma_wait3A_115 = arith.constant 0 : i32
      %dma_wait3A_116 = tpu.memref_slice %arg2[%dma_wait3A_114, %dma_wait3A_115] : memref<10000x128xf32, #tpu.memory_space<hbm>> -> memref<10000x128xf32, #tpu.memory_space<hbm>>
      tpu.wait_indirect_dma semaphore(%arg14 : memref<!tpu.dma_semaphore, #tpu.memory_space<semaphore_mem>>) src(%dma_wait3A_116 : memref<10000x128xf32, #tpu.memory_space<hbm>>) dst(%arg11 : memref<80x128xf32, #tpu.memory_space<vmem>>)
      %add3A_117 = arith.constant 1 : i32
      %add3A_118 = arith.addi %mul3A_113, %add3A_117 : i32
      %mul3A_119 = arith.constant 10000 : i32
      %mul3A_120 = arith.muli %add3A, %mul3A_119 : i32
      %mul3A_121 = arith.constant 80 : i32
      %mul3A_122 = arith.muli %add3A_118, %mul3A_121 : i32
      %add3A_123 = arith.addi %mul3A_120, %mul3A_122 : i32
      %dma_start3A_124 = tpu.memref_slice %arg4[%add3A_123] : memref<320000xi32, #tpu.memory_space<hbm>> -> memref<80xi32, #tpu.memory_space<hbm>>
      %dma_start3A_125 = tpu.memref_slice %arg4[%add3A_123] : memref<320000xi32, #tpu.memory_space<hbm>> -> memref<80xi32, #tpu.memory_space<hbm>>
      tpu.enqueue_dma source(%dma_start3A_125 : memref<80xi32, #tpu.memory_space<hbm>>) target(%arg8 : memref<80xi32, #tpu.memory_space<vmem>>) target_semaphore(%arg18 : memref<!tpu.dma_semaphore, #tpu.memory_space<semaphore_mem>>)
      %dma_wait3A_126 = arith.constant 0 : i32
      %dma_wait3A_127 = arith.constant 0 : i32
      %dma_wait3A_128 = tpu.memref_slice %arg9[%dma_wait3A_126, %dma_wait3A_127] : memref<125x80xi32, #tpu.memory_space<vmem>> -> memref<1x80xi32, #tpu.memory_space<vmem>>
      %dma_wait3A_129 = tpu.memref_squeeze %dma_wait3A_128 : memref<1x80xi32, #tpu.memory_space<vmem>> -> memref<80xi32, #tpu.memory_space<vmem>>
      %dma_wait3A_130 = arith.constant 0 : i32
      %dma_wait3A_131 = arith.constant 0 : i32
      %dma_wait3A_132 = tpu.memref_slice %arg12[%dma_wait3A_130, %dma_wait3A_131] : memref<10000x128xf32, #tpu.memory_space<vmem_shared>> -> memref<10000x128xf32, #tpu.memory_space<vmem_shared>>
      tpu.wait_indirect_dma semaphore(%arg15 : memref<!tpu.dma_semaphore, #tpu.memory_space<semaphore_mem>>) src(%arg10 : memref<80x128xf32, #tpu.memory_space<vmem>>) dst(%dma_wait3A_132 : memref<10000x128xf32, #tpu.memory_space<vmem_shared>>)
      %mul3A_133 = arith.constant 10000 : i32
      %mul3A_134 = arith.muli %add3A, %mul3A_133 : i32
      %dma_wait3A_135 = tpu.memref_slice %arg4[%mul3A_134] : memref<320000xi32, #tpu.memory_space<hbm>> -> memref<80xi32, #tpu.memory_space<hbm>>
      %dma_wait3A_136 = tpu.memref_slice %arg4[%mul3A_134] : memref<320000xi32, #tpu.memory_space<hbm>> -> memref<80xi32, #tpu.memory_space<hbm>>
      tpu.wait_dma2 semaphore(%arg17 : memref<!tpu.dma_semaphore, #tpu.memory_space<semaphore_mem>>) src(%dma_wait3A_136 : memref<80xi32, #tpu.memory_space<hbm>>) dst(%arg7 : memref<80xi32, #tpu.memory_space<vmem>>)
      %dma_start3A_137 = arith.constant 0 : i32
      %dma_start3A_138 = arith.constant 0 : i32
      %dma_start3A_139 = tpu.memref_slice %arg2[%dma_start3A_137, %dma_start3A_138] : memref<10000x128xf32, #tpu.memory_space<hbm>> -> memref<10000x128xf32, #tpu.memory_space<hbm>>
      tpu.enqueue_indirect_dma source(%dma_start3A_139 : memref<10000x128xf32, #tpu.memory_space<hbm>>) target(%arg10 : memref<80x128xf32, #tpu.memory_space<vmem>>) offsets(%arg7 : memref<80xi32, #tpu.memory_space<vmem>>) semaphore(%arg13 : memref<!tpu.dma_semaphore, #tpu.memory_space<semaphore_mem>>)
      %sub3A = arith.constant 1 : i32
      %sub3A_140 = arith.subi %mul3A_113, %sub3A : i32
      %dma_start3A_141 = arith.constant 0 : i32
      %dma_start3A_142 = tpu.memref_slice %arg9[%sub3A_140, %dma_start3A_141] : memref<125x80xi32, #tpu.memory_space<vmem>> -> memref<1x80xi32, #tpu.memory_space<vmem>>
      %dma_start3A_143 = tpu.memref_squeeze %dma_start3A_142 : memref<1x80xi32, #tpu.memory_space<vmem>> -> memref<80xi32, #tpu.memory_space<vmem>>
      %dma_start3A_144 = arith.constant 0 : i32
      %dma_start3A_145 = arith.constant 0 : i32
      %dma_start3A_146 = tpu.memref_slice %arg12[%dma_start3A_144, %dma_start3A_145] : memref<10000x128xf32, #tpu.memory_space<vmem_shared>> -> memref<10000x128xf32, #tpu.memory_space<vmem_shared>>
      tpu.enqueue_indirect_dma source(%arg11 : memref<80x128xf32, #tpu.memory_space<vmem>>) target(%dma_start3A_146 : memref<10000x128xf32, #tpu.memory_space<vmem_shared>>) offsets(%dma_start3A_143 : memref<80xi32, #tpu.memory_space<vmem>>) semaphore(%arg16 : memref<!tpu.dma_semaphore, #tpu.memory_space<semaphore_mem>>) {add = true}
      %dma_wait3A_147 = arith.constant 0 : i32
      %dma_wait3A_148 = arith.constant 0 : i32
      %dma_wait3A_149 = tpu.memref_slice %arg2[%dma_wait3A_147, %dma_wait3A_148] : memref<10000x128xf32, #tpu.memory_space<hbm>> -> memref<10000x128xf32, #tpu.memory_space<hbm>>
      tpu.wait_indirect_dma semaphore(%arg13 : memref<!tpu.dma_semaphore, #tpu.memory_space<semaphore_mem>>) src(%dma_wait3A_149 : memref<10000x128xf32, #tpu.memory_space<hbm>>) dst(%arg10 : memref<80x128xf32, #tpu.memory_space<vmem>>)
      %add3A_150 = arith.constant 2 : i32
      %add3A_151 = arith.addi %mul3A_113, %add3A_150 : i32
      %mul3A_152 = arith.constant 10000 : i32
      %mul3A_153 = arith.muli %add3A, %mul3A_152 : i32
      %mul3A_154 = arith.constant 80 : i32
      %mul3A_155 = arith.muli %add3A_151, %mul3A_154 : i32
      %add3A_156 = arith.addi %mul3A_153, %mul3A_155 : i32
      %dma_start3A_157 = tpu.memref_slice %arg4[%add3A_156] : memref<320000xi32, #tpu.memory_space<hbm>> -> memref<80xi32, #tpu.memory_space<hbm>>
      %dma_start3A_158 = tpu.memref_slice %arg4[%add3A_156] : memref<320000xi32, #tpu.memory_space<hbm>> -> memref<80xi32, #tpu.memory_space<hbm>>
      tpu.enqueue_dma source(%dma_start3A_158 : memref<80xi32, #tpu.memory_space<hbm>>) target(%arg7 : memref<80xi32, #tpu.memory_space<vmem>>) target_semaphore(%arg17 : memref<!tpu.dma_semaphore, #tpu.memory_space<semaphore_mem>>)
      %dma_wait3A_159 = arith.constant 0 : i32
      %dma_wait3A_160 = arith.constant 0 : i32
      %dma_wait3A_161 = tpu.memref_slice %arg9[%dma_wait3A_159, %dma_wait3A_160] : memref<125x80xi32, #tpu.memory_space<vmem>> -> memref<1x80xi32, #tpu.memory_space<vmem>>
      %dma_wait3A_162 = tpu.memref_squeeze %dma_wait3A_161 : memref<1x80xi32, #tpu.memory_space<vmem>> -> memref<80xi32, #tpu.memory_space<vmem>>
      %dma_wait3A_163 = arith.constant 0 : i32
      %dma_wait3A_164 = arith.constant 0 : i32
      %dma_wait3A_165 = tpu.memref_slice %arg12[%dma_wait3A_163, %dma_wait3A_164] : memref<10000x128xf32, #tpu.memory_space<vmem_shared>> -> memref<10000x128xf32, #tpu.memory_space<vmem_shared>>
      tpu.wait_indirect_dma semaphore(%arg16 : memref<!tpu.dma_semaphore, #tpu.memory_space<semaphore_mem>>) src(%arg11 : memref<80x128xf32, #tpu.memory_space<vmem>>) dst(%dma_wait3A_165 : memref<10000x128xf32, #tpu.memory_space<vmem_shared>>)
      %add3A_166 = arith.constant 1 : i32
      %add3A_167 = arith.addi %mul3A_113, %add3A_166 : i32
      %mul3A_168 = arith.constant 10000 : i32
      %mul3A_169 = arith.muli %add3A, %mul3A_168 : i32
      %dma_wait3A_170 = tpu.memref_slice %arg4[%mul3A_169] : memref<320000xi32, #tpu.memory_space<hbm>> -> memref<80xi32, #tpu.memory_space<hbm>>
      %dma_wait3A_171 = tpu.memref_slice %arg4[%mul3A_169] : memref<320000xi32, #tpu.memory_space<hbm>> -> memref<80xi32, #tpu.memory_space<hbm>>
      tpu.wait_dma2 semaphore(%arg18 : memref<!tpu.dma_semaphore, #tpu.memory_space<semaphore_mem>>) src(%dma_wait3A_171 : memref<80xi32, #tpu.memory_space<hbm>>) dst(%arg8 : memref<80xi32, #tpu.memory_space<vmem>>)
      %dma_start3A_172 = arith.constant 0 : i32
      %dma_start3A_173 = arith.constant 0 : i32
      %dma_start3A_174 = tpu.memref_slice %arg2[%dma_start3A_172, %dma_start3A_173] : memref<10000x128xf32, #tpu.memory_space<hbm>> -> memref<10000x128xf32, #tpu.memory_space<hbm>>
      tpu.enqueue_indirect_dma source(%dma_start3A_174 : memref<10000x128xf32, #tpu.memory_space<hbm>>) target(%arg11 : memref<80x128xf32, #tpu.memory_space<vmem>>) offsets(%arg8 : memref<80xi32, #tpu.memory_space<vmem>>) semaphore(%arg14 : memref<!tpu.dma_semaphore, #tpu.memory_space<semaphore_mem>>)
      %dma_start3A_175 = arith.constant 0 : i32
      %dma_start3A_176 = tpu.memref_slice %arg9[%mul3A_113, %dma_start3A_175] : memref<125x80xi32, #tpu.memory_space<vmem>> -> memref<1x80xi32, #tpu.memory_space<vmem>>
      %dma_start3A_177 = tpu.memref_squeeze %dma_start3A_176 : memref<1x80xi32, #tpu.memory_space<vmem>> -> memref<80xi32, #tpu.memory_space<vmem>>
      %dma_start3A_178 = arith.constant 0 : i32
      %dma_start3A_179 = arith.constant 0 : i32
      %dma_start3A_180 = tpu.memref_slice %arg12[%dma_start3A_178, %dma_start3A_179] : memref<10000x128xf32, #tpu.memory_space<vmem_shared>> -> memref<10000x128xf32, #tpu.memory_space<vmem_shared>>
      tpu.enqueue_indirect_dma source(%arg10 : memref<80x128xf32, #tpu.memory_space<vmem>>) target(%dma_start3A_180 : memref<10000x128xf32, #tpu.memory_space<vmem_shared>>) offsets(%dma_start3A_177 : memref<80xi32, #tpu.memory_space<vmem>>) semaphore(%arg15 : memref<!tpu.dma_semaphore, #tpu.memory_space<semaphore_mem>>) {add = true}
    }
    %scan3A_51 = arith.constant 61 : i32
    %dma_wait3A_52 = arith.constant 0 : i32
    %dma_wait3A_53 = arith.constant 0 : i32
    %dma_wait3A_54 = tpu.memref_slice %arg2[%dma_wait3A_52, %dma_wait3A_53] : memref<10000x128xf32, #tpu.memory_space<hbm>> -> memref<10000x128xf32, #tpu.memory_space<hbm>>
    tpu.wait_indirect_dma semaphore(%arg14 : memref<!tpu.dma_semaphore, #tpu.memory_space<semaphore_mem>>) src(%dma_wait3A_54 : memref<10000x128xf32, #tpu.memory_space<hbm>>) dst(%arg11 : memref<80x128xf32, #tpu.memory_space<vmem>>)
    %dma_wait3A_55 = arith.constant 0 : i32
    %dma_wait3A_56 = arith.constant 0 : i32
    %dma_wait3A_57 = tpu.memref_slice %arg9[%dma_wait3A_55, %dma_wait3A_56] : memref<125x80xi32, #tpu.memory_space<vmem>> -> memref<1x80xi32, #tpu.memory_space<vmem>>
    %dma_wait3A_58 = tpu.memref_squeeze %dma_wait3A_57 : memref<1x80xi32, #tpu.memory_space<vmem>> -> memref<80xi32, #tpu.memory_space<vmem>>
    %dma_wait3A_59 = arith.constant 0 : i32
    %dma_wait3A_60 = arith.constant 0 : i32
    %dma_wait3A_61 = tpu.memref_slice %arg12[%dma_wait3A_59, %dma_wait3A_60] : memref<10000x128xf32, #tpu.memory_space<vmem_shared>> -> memref<10000x128xf32, #tpu.memory_space<vmem_shared>>
    tpu.wait_indirect_dma semaphore(%arg15 : memref<!tpu.dma_semaphore, #tpu.memory_space<semaphore_mem>>) src(%arg10 : memref<80x128xf32, #tpu.memory_space<vmem>>) dst(%dma_wait3A_61 : memref<10000x128xf32, #tpu.memory_space<vmem_shared>>)
    %mul3A_62 = arith.constant 10000 : i32
    %mul3A_63 = arith.muli %add3A, %mul3A_62 : i32
    %dma_wait3A_64 = tpu.memref_slice %arg4[%mul3A_63] : memref<320000xi32, #tpu.memory_space<hbm>> -> memref<80xi32, #tpu.memory_space<hbm>>
    %dma_wait3A_65 = tpu.memref_slice %arg4[%mul3A_63] : memref<320000xi32, #tpu.memory_space<hbm>> -> memref<80xi32, #tpu.memory_space<hbm>>
    tpu.wait_dma2 semaphore(%arg17 : memref<!tpu.dma_semaphore, #tpu.memory_space<semaphore_mem>>) src(%dma_wait3A_65 : memref<80xi32, #tpu.memory_space<hbm>>) dst(%arg7 : memref<80xi32, #tpu.memory_space<vmem>>)
    %dma_start3A_66 = arith.constant 0 : i32
    %dma_start3A_67 = arith.constant 0 : i32
    %dma_start3A_68 = tpu.memref_slice %arg2[%dma_start3A_66, %dma_start3A_67] : memref<10000x128xf32, #tpu.memory_space<hbm>> -> memref<10000x128xf32, #tpu.memory_space<hbm>>
    tpu.enqueue_indirect_dma source(%dma_start3A_68 : memref<10000x128xf32, #tpu.memory_space<hbm>>) target(%arg10 : memref<80x128xf32, #tpu.memory_space<vmem>>) offsets(%arg7 : memref<80xi32, #tpu.memory_space<vmem>>) semaphore(%arg13 : memref<!tpu.dma_semaphore, #tpu.memory_space<semaphore_mem>>)
    %dma_start3A_69 = arith.constant 123 : i32
    %dma_start3A_70 = arith.constant 0 : i32
    %dma_start3A_71 = tpu.memref_slice %arg9[%dma_start3A_69, %dma_start3A_70] : memref<125x80xi32, #tpu.memory_space<vmem>> -> memref<1x80xi32, #tpu.memory_space<vmem>>
    %dma_start3A_72 = tpu.memref_squeeze %dma_start3A_71 : memref<1x80xi32, #tpu.memory_space<vmem>> -> memref<80xi32, #tpu.memory_space<vmem>>
    %dma_start3A_73 = arith.constant 0 : i32
    %dma_start3A_74 = arith.constant 0 : i32
    %dma_start3A_75 = tpu.memref_slice %arg12[%dma_start3A_73, %dma_start3A_74] : memref<10000x128xf32, #tpu.memory_space<vmem_shared>> -> memref<10000x128xf32, #tpu.memory_space<vmem_shared>>
    tpu.enqueue_indirect_dma source(%arg11 : memref<80x128xf32, #tpu.memory_space<vmem>>) target(%dma_start3A_75 : memref<10000x128xf32, #tpu.memory_space<vmem_shared>>) offsets(%dma_start3A_72 : memref<80xi32, #tpu.memory_space<vmem>>) semaphore(%arg16 : memref<!tpu.dma_semaphore, #tpu.memory_space<semaphore_mem>>) {add = true}
    %dma_wait3A_76 = arith.constant 0 : i32
    %dma_wait3A_77 = arith.constant 0 : i32
    %dma_wait3A_78 = tpu.memref_slice %arg2[%dma_wait3A_76, %dma_wait3A_77] : memref<10000x128xf32, #tpu.memory_space<hbm>> -> memref<10000x128xf32, #tpu.memory_space<hbm>>
    tpu.wait_indirect_dma semaphore(%arg13 : memref<!tpu.dma_semaphore, #tpu.memory_space<semaphore_mem>>) src(%dma_wait3A_78 : memref<10000x128xf32, #tpu.memory_space<hbm>>) dst(%arg10 : memref<80x128xf32, #tpu.memory_space<vmem>>)
    %dma_wait3A_79 = arith.constant 0 : i32
    %dma_wait3A_80 = arith.constant 0 : i32
    %dma_wait3A_81 = tpu.memref_slice %arg9[%dma_wait3A_79, %dma_wait3A_80] : memref<125x80xi32, #tpu.memory_space<vmem>> -> memref<1x80xi32, #tpu.memory_space<vmem>>
    %dma_wait3A_82 = tpu.memref_squeeze %dma_wait3A_81 : memref<1x80xi32, #tpu.memory_space<vmem>> -> memref<80xi32, #tpu.memory_space<vmem>>
    %dma_wait3A_83 = arith.constant 0 : i32
    %dma_wait3A_84 = arith.constant 0 : i32
    %dma_wait3A_85 = tpu.memref_slice %arg12[%dma_wait3A_83, %dma_wait3A_84] : memref<10000x128xf32, #tpu.memory_space<vmem_shared>> -> memref<10000x128xf32, #tpu.memory_space<vmem_shared>>
    tpu.wait_indirect_dma semaphore(%arg16 : memref<!tpu.dma_semaphore, #tpu.memory_space<semaphore_mem>>) src(%arg11 : memref<80x128xf32, #tpu.memory_space<vmem>>) dst(%dma_wait3A_85 : memref<10000x128xf32, #tpu.memory_space<vmem_shared>>)
    %dma_start3A_86 = arith.constant 124 : i32
    %dma_start3A_87 = arith.constant 0 : i32
    %dma_start3A_88 = tpu.memref_slice %arg9[%dma_start3A_86, %dma_start3A_87] : memref<125x80xi32, #tpu.memory_space<vmem>> -> memref<1x80xi32, #tpu.memory_space<vmem>>
    %dma_start3A_89 = tpu.memref_squeeze %dma_start3A_88 : memref<1x80xi32, #tpu.memory_space<vmem>> -> memref<80xi32, #tpu.memory_space<vmem>>
    %dma_start3A_90 = arith.constant 0 : i32
    %dma_start3A_91 = arith.constant 0 : i32
    %dma_start3A_92 = tpu.memref_slice %arg12[%dma_start3A_90, %dma_start3A_91] : memref<10000x128xf32, #tpu.memory_space<vmem_shared>> -> memref<10000x128xf32, #tpu.memory_space<vmem_shared>>
    tpu.enqueue_indirect_dma source(%arg10 : memref<80x128xf32, #tpu.memory_space<vmem>>) target(%dma_start3A_92 : memref<10000x128xf32, #tpu.memory_space<vmem_shared>>) offsets(%dma_start3A_89 : memref<80xi32, #tpu.memory_space<vmem>>) semaphore(%arg15 : memref<!tpu.dma_semaphore, #tpu.memory_space<semaphore_mem>>) {add = true}
    %dma_wait3A_93 = arith.constant 0 : i32
    %dma_wait3A_94 = arith.constant 0 : i32
    %dma_wait3A_95 = tpu.memref_slice %arg9[%dma_wait3A_93, %dma_wait3A_94] : memref<125x80xi32, #tpu.memory_space<vmem>> -> memref<1x80xi32, #tpu.memory_space<vmem>>
    %dma_wait3A_96 = tpu.memref_squeeze %dma_wait3A_95 : memref<1x80xi32, #tpu.memory_space<vmem>> -> memref<80xi32, #tpu.memory_space<vmem>>
    %dma_wait3A_97 = arith.constant 0 : i32
    %dma_wait3A_98 = arith.constant 0 : i32
    %dma_wait3A_99 = tpu.memref_slice %arg12[%dma_wait3A_97, %dma_wait3A_98] : memref<10000x128xf32, #tpu.memory_space<vmem_shared>> -> memref<10000x128xf32, #tpu.memory_space<vmem_shared>>
    tpu.wait_indirect_dma semaphore(%arg15 : memref<!tpu.dma_semaphore, #tpu.memory_space<semaphore_mem>>) src(%arg10 : memref<80x128xf32, #tpu.memory_space<vmem>>) dst(%dma_wait3A_99 : memref<10000x128xf32, #tpu.memory_space<vmem_shared>>)
    %barrier3A_100 = arith.constant 0 : index
    tpu.barrier barrier_id(%barrier3A_100)
    %eq3A_101 = arith.constant 0 : i32
    %eq3A_102 = arith.cmpi eq, %arg1, %eq3A_101 : i32
    %convert_element_type3A_103 = arith.extui %eq3A_102 : i1 to i32
    %cond3A_104 = arith.constant 0 : i32
    %cond3A_105 = arith.cmpi ne, %convert_element_type3A_103, %cond3A_104 : i32
    scf.if %cond3A_105 {
      %mul3A_111 = arith.constant 10000 : i32
      %mul3A_112 = arith.muli %arg0, %mul3A_111 : i32
      %add3A_113 = arith.constant 0 : i32
      %add3A_114 = arith.addi %mul3A_112, %add3A_113 : i32
      "tpu.region"() ({
        %run_scoped3A = tpu.sem_alloc : memref<!tpu.dma_semaphore, #tpu.memory_space<semaphore_mem>>
        %dma_start3A_115 = arith.constant 0 : i32
        %dma_start3A_116 = tpu.memref_slice %arg6[%add3A_114, %dma_start3A_115] : memref<20000x128xf32, #tpu.memory_space<hbm>> -> memref<640x128xf32, #tpu.memory_space<hbm>>
        %dma_start3A_117 = arith.constant 0 : i32
        %dma_start3A_118 = arith.constant 0 : i32
        %dma_start3A_119 = tpu.memref_slice %arg12[%dma_start3A_117, %dma_start3A_118] : memref<10000x128xf32, #tpu.memory_space<vmem_shared>> -> memref<640x128xf32, #tpu.memory_space<vmem_shared>>
        tpu.enqueue_dma source(%dma_start3A_119 : memref<640x128xf32, #tpu.memory_space<vmem_shared>>) target(%dma_start3A_116 : memref<640x128xf32, #tpu.memory_space<hbm>>) target_semaphore(%run_scoped3A : memref<!tpu.dma_semaphore, #tpu.memory_space<semaphore_mem>>)
        %dma_wait3A_120 = arith.constant 0 : i32
        %dma_wait3A_121 = tpu.memref_slice %arg6[%add3A_114, %dma_wait3A_120] : memref<20000x128xf32, #tpu.memory_space<hbm>> -> memref<640x128xf32, #tpu.memory_space<hbm>>
        %dma_wait3A_122 = arith.constant 0 : i32
        %dma_wait3A_123 = arith.constant 0 : i32
        %dma_wait3A_124 = tpu.memref_slice %arg12[%dma_wait3A_122, %dma_wait3A_123] : memref<10000x128xf32, #tpu.memory_space<vmem_shared>> -> memref<640x128xf32, #tpu.memory_space<vmem_shared>>
        tpu.wait_dma2 semaphore(%run_scoped3A : memref<!tpu.dma_semaphore, #tpu.memory_space<semaphore_mem>>) src(%dma_wait3A_124 : memref<640x128xf32, #tpu.memory_space<vmem_shared>>) dst(%dma_wait3A_121 : memref<640x128xf32, #tpu.memory_space<hbm>>)
        tpu.yield
      }) : () -> ()
    } else {
    }
    %gt3A_106 = arith.constant 0 : i32
    %gt3A_107 = arith.cmpi sgt, %arg1, %gt3A_106 : i32
    %convert_element_type3A_108 = arith.extui %gt3A_107 : i1 to i32
    %cond3A_109 = arith.constant 0 : i32
    %cond3A_110 = arith.cmpi ne, %convert_element_type3A_108, %cond3A_109 : i32
    scf.if %cond3A_110 {
      %sub3A = arith.constant 1 : i32
      %sub3A_111 = arith.subi %arg1, %sub3A : i32
      %mul3A_112 = arith.constant 624 : i32
      %mul3A_113 = arith.muli %sub3A_111, %mul3A_112 : i32
      %add3A_114 = arith.constant 640 : i32
      %add3A_115 = arith.addi %add3A_114, %mul3A_113 : i32
      %mul3A_116 = arith.constant 10000 : i32
      %mul3A_117 = arith.muli %arg0, %mul3A_116 : i32
      %add3A_118 = arith.addi %mul3A_117, %add3A_115 : i32
      "tpu.region"() ({
        %run_scoped3A = tpu.sem_alloc : memref<!tpu.dma_semaphore, #tpu.memory_space<semaphore_mem>>
        %dma_start3A_119 = arith.constant 0 : i32
        %dma_start3A_120 = tpu.memref_slice %arg6[%add3A_118, %dma_start3A_119] : memref<20000x128xf32, #tpu.memory_space<hbm>> -> memref<624x128xf32, #tpu.memory_space<hbm>>
        %dma_start3A_121 = arith.constant 0 : i32
        %dma_start3A_122 = tpu.memref_slice %arg12[%add3A_115, %dma_start3A_121] : memref<10000x128xf32, #tpu.memory_space<vmem_shared>> -> memref<624x128xf32, #tpu.memory_space<vmem_shared>>
        tpu.enqueue_dma source(%dma_start3A_122 : memref<624x128xf32, #tpu.memory_space<vmem_shared>>) target(%dma_start3A_120 : memref<624x128xf32, #tpu.memory_space<hbm>>) target_semaphore(%run_scoped3A : memref<!tpu.dma_semaphore, #tpu.memory_space<semaphore_mem>>)
        %dma_wait3A_123 = arith.constant 0 : i32
        %dma_wait3A_124 = tpu.memref_slice %arg6[%add3A_118, %dma_wait3A_123] : memref<20000x128xf32, #tpu.memory_space<hbm>> -> memref<624x128xf32, #tpu.memory_space<hbm>>
        %dma_wait3A_125 = arith.constant 0 : i32
        %dma_wait3A_126 = tpu.memref_slice %arg12[%add3A_115, %dma_wait3A_125] : memref<10000x128xf32, #tpu.memory_space<vmem_shared>> -> memref<624x128xf32, #tpu.memory_space<vmem_shared>>
        tpu.wait_dma2 semaphore(%run_scoped3A : memref<!tpu.dma_semaphore, #tpu.memory_space<semaphore_mem>>) src(%dma_wait3A_126 : memref<624x128xf32, #tpu.memory_space<vmem_shared>>) dst(%dma_wait3A_124 : memref<624x128xf32, #tpu.memory_space<hbm>>)
        tpu.yield
      }) : () -> ()
    } else {
    }
    return
  }
}

module attributes {stable_mosaic.version = 14 : i64} {
  func.func @_proj_body(%arg0: i32, %arg1: memref<32x10000xf32, #tpu.memory_space<vmem>>, %arg2: memref<1000x128xf32, #tpu.memory_space<vmem>>, %arg3: memref<128x128xf32, #tpu.memory_space<vmem>>, %arg4: memref<1x128xf32, #tpu.memory_space<vmem>>, %arg5: memref<1000x128xf32, #tpu.memory_space<vmem>>, %arg6: memref<1000x128xf32, #tpu.memory_space<vmem>>, %arg7: memref<10000x1xf32, #tpu.memory_space<vmem>>) attributes {dimension_semantics = [#tpu.dimension_semantics<arbitrary>], iteration_bounds = array<i64: 10>, scalar_prefetch = 0 : i64, scratch_operands = 0 : i64, tpu.core_type = #tpu.core_type<tc>, window_params = [{pipeline_mode = #tpu.pipeline_mode<synchronous>, transform_indices = @transform_0, window_bounds = array<i64: 32, 10000>}, {transform_indices = @transform_1, window_bounds = array<i64: 1000, 128>}, {pipeline_mode = #tpu.pipeline_mode<synchronous>, transform_indices = @transform_2, window_bounds = array<i64: 128, 128>}, {pipeline_mode = #tpu.pipeline_mode<synchronous>, transform_indices = @transform_3, window_bounds = array<i64: 1, 128>}, {transform_indices = @transform_4, window_bounds = array<i64: 1000, 128>}, {transform_indices = @transform_5, window_bounds = array<i64: 1000, 128>}, {pipeline_mode = #tpu.pipeline_mode<synchronous>, transform_indices = @transform_6, window_bounds = array<i64: 10000, 1>}]} {
    %eq3A = arith.constant 0 : i32
    %eq3A_0 = arith.cmpi eq, %arg0, %eq3A : i32
    %convert_element_type3A = arith.extui %eq3A_0 : i1 to i32
    %cond3A = arith.constant 0 : i32
    %cond3A_1 = arith.cmpi ne, %convert_element_type3A, %cond3A : i32
    scf.if %cond3A_1 {
      %get3A_29 = arith.constant 0 : index
      %get3A_30 = arith.constant 0 : index
      %get3A_31 = vector.load %arg1[%get3A_29, %get3A_30] : memref<32x10000xf32, #tpu.memory_space<vmem>>, vector<32x10000xf32>
      %reduce_sum3A = arith.constant dense<0.000000e+00> : vector<10000xf32>
      %reduce_sum3A_32 = vector.multi_reduction <add>, %get3A_31, %reduce_sum3A [0] : vector<32x10000xf32> to vector<10000xf32>
      %add3A_33 = arith.constant 1.000000e+00 : f32
      %add3A_34 = vector.broadcast %add3A_33 : f32 to vector<10000xf32>
      %add3A_35 = arith.addf %reduce_sum3A_32, %add3A_34 : vector<10000xf32>
      %rsqrt3A = math.rsqrt %add3A_35 : vector<10000xf32>
      %broadcast_in_dim3A = vector.shape_cast %rsqrt3A : vector<10000xf32> to vector<10000x1xf32>
      %swap3A_36 = arith.constant 0 : index
      %swap3A_37 = arith.constant 0 : index
      %swap3A_38 = vector.load %arg7[%swap3A_36, %swap3A_37] : memref<10000x1xf32, #tpu.memory_space<vmem>>, vector<10000x1xf32>
      tpu.vector_store %arg7[%swap3A_36, %swap3A_37], %broadcast_in_dim3A {strides = array<i32>} : memref<10000x1xf32, #tpu.memory_space<vmem>>, vector<10000x1xf32>,
    } else {
    }
    %mul3A = arith.constant 1000 : i32
    %mul3A_2 = arith.muli %arg0, %mul3A : i32
    %multiple_of3A = tpu.assume_multiple %mul3A_2, 8 : i32
    %get3A = arith.index_cast %multiple_of3A : i32 to index
    %get3A_3 = arith.constant 0 : index
    %get3A_4 = vector.load %arg7[%get3A, %get3A_3] : memref<10000x1xf32, #tpu.memory_space<vmem>>, vector<1000x1xf32>
    %get3A_5 = arith.constant 0 : index
    %get3A_6 = arith.constant 0 : index
    %get3A_7 = vector.load %arg2[%get3A_5, %get3A_6] : memref<1000x128xf32, #tpu.memory_space<vmem>>, vector<1000x128xf32>
    %get3A_8 = arith.constant 0 : index
    %get3A_9 = arith.constant 0 : index
    %get3A_10 = vector.load %arg3[%get3A_8, %get3A_9] : memref<128x128xf32, #tpu.memory_space<vmem>>, vector<128x128xf32>
    %dot_general3A = arith.constant dense<0.000000e+00> : vector<1000x128xf32>
    %dot_general3A_11 = tpu.matmul %get3A_7, %get3A_10, %dot_general3A {dimension_numbers = #tpu.dot_dimension_numbers<[1], [0], [0], [1], [0, 0, 1, 1], [], []>, precision = #tpu.contract_precision<fp32>, transpose_lhs_hint = false} : vector<1000x128xf32>, vector<128x128xf32>, vector<1000x128xf32> -> vector<1000x128xf32>
    %get3A_12 = arith.constant 0 : index
    %get3A_13 = arith.constant 0 : index
    %get3A_14 = vector.load %arg4[%get3A_12, %get3A_13] : memref<1x128xf32, #tpu.memory_space<vmem>>, vector<1x128xf32>
    %add3A = vector.broadcast %get3A_14 : vector<1x128xf32> to vector<1000x128xf32>
    %add3A_15 = arith.addf %dot_general3A_11, %add3A : vector<1000x128xf32>
    %max3A = arith.constant 0.000000e+00 : f32
    %max3A_16 = vector.broadcast %max3A : f32 to vector<1000x128xf32>
    %max3A_17 = arith.maximumf %add3A_15, %max3A_16 : vector<1000x128xf32>
    %mul3A_18 = vector.broadcast %get3A_4 : vector<1000x1xf32> to vector<1000x128xf32>
    %mul3A_19 = arith.mulf %max3A_17, %mul3A_18 : vector<1000x128xf32>
    %swap3A = arith.constant 0 : index
    %swap3A_20 = arith.constant 0 : index
    %swap3A_21 = vector.load %arg5[%swap3A, %swap3A_20] : memref<1000x128xf32, #tpu.memory_space<vmem>>, vector<1000x128xf32>
    tpu.vector_store %arg5[%swap3A, %swap3A_20], %mul3A_19 {strides = array<i32>} : memref<1000x128xf32, #tpu.memory_space<vmem>>, vector<1000x128xf32>,
    %mul3A_22 = arith.constant 9.000000e+00 : f32
    %mul3A_23 = vector.broadcast %mul3A_22 : f32 to vector<1000x1xf32>
    %mul3A_24 = arith.mulf %mul3A_23, %get3A_4 : vector<1000x1xf32>
    %div3A = vector.broadcast %mul3A_24 : vector<1000x1xf32> to vector<1000x128xf32>
    %div3A_25 = arith.divf %max3A_17, %div3A : vector<1000x128xf32>
    %swap3A_26 = arith.constant 0 : index
    %swap3A_27 = arith.constant 0 : index
    %swap3A_28 = vector.load %arg6[%swap3A_26, %swap3A_27] : memref<1000x128xf32, #tpu.memory_space<vmem>>, vector<1000x128xf32>
    tpu.vector_store %arg6[%swap3A_26, %swap3A_27], %div3A_25 {strides = array<i32>} : memref<1000x128xf32, #tpu.memory_space<vmem>>, vector<1000x128xf32>,
    return
  }
  func.func @transform_0(%arg0: i32) -> (i32, i32) {
    %c0_i32 = arith.constant 0 : i32
    %c0_i32_0 = arith.constant 0 : i32
    %c0_i32_1 = arith.constant 0 : i32
    return %c0_i32, %c0_i32_0 : i32, i32
  }
  func.func @transform_1(%arg0: i32) -> (i32, i32) {
    %c0_i32 = arith.constant 0 : i32
    %c0_i32_0 = arith.constant 0 : i32
    return %arg0, %c0_i32 : i32, i32
  }
  func.func @transform_2(%arg0: i32) -> (i32, i32) {
    %c0_i32 = arith.constant 0 : i32
    %c0_i32_0 = arith.constant 0 : i32
    %c0_i32_1 = arith.constant 0 : i32
    return %c0_i32, %c0_i32_0 : i32, i32
  }
  func.func @transform_3(%arg0: i32) -> (i32, i32) {
    %c0_i32 = arith.constant 0 : i32
    %c0_i32_0 = arith.constant 0 : i32
    %c0_i32_1 = arith.constant 0 : i32
    return %c0_i32, %c0_i32_0 : i32, i32
  }
  func.func @transform_4(%arg0: i32) -> (i32, i32) {
    %c0_i32 = arith.constant 0 : i32
    %c0_i32_0 = arith.constant 0 : i32
    return %arg0, %c0_i32 : i32, i32
  }
  func.func @transform_5(%arg0: i32) -> (i32, i32) {
    %c0_i32 = arith.constant 0 : i32
    %c0_i32_0 = arith.constant 0 : i32
    return %arg0, %c0_i32 : i32, i32
  }
  func.func @transform_6(%arg0: i32) -> (i32, i32) {
    %c0_i32 = arith.constant 0 : i32
    %c0_i32_0 = arith.constant 0 : i32
    %c0_i32_1 = arith.constant 0 : i32
    return %c0_i32, %c0_i32_0 : i32, i32
  }
}

module attributes {stable_mosaic.version = 14 : i64} {
  func.func @_layer1_body(%arg0: i32, %arg1: memref<1000x128xf32, #tpu.memory_space<vmem>>, %arg2: memref<1000x128xf32, #tpu.memory_space<vmem>>, %arg3: memref<1000x1xf32, #tpu.memory_space<vmem>>, %arg4: memref<128x128xf32, #tpu.memory_space<vmem>>, %arg5: memref<1000x128xf32, #tpu.memory_space<vmem>>) attributes {dimension_semantics = [#tpu.dimension_semantics<arbitrary>], iteration_bounds = array<i64: 10>, scalar_prefetch = 0 : i64, scratch_operands = 0 : i64, tpu.core_type = #tpu.core_type<tc>, window_params = [{transform_indices = @transform_0, window_bounds = array<i64: 1000, 128>}, {transform_indices = @transform_1, window_bounds = array<i64: 1000, 128>}, {transform_indices = @transform_2, window_bounds = array<i64: 1000, 1>}, {pipeline_mode = #tpu.pipeline_mode<synchronous>, transform_indices = @transform_3, window_bounds = array<i64: 128, 128>}, {transform_indices = @transform_4, window_bounds = array<i64: 1000, 128>}]} {
    %get3A = arith.constant 0 : index
    %get3A_0 = arith.constant 0 : index
    %get3A_1 = vector.load %arg3[%get3A, %get3A_0] : memref<1000x1xf32, #tpu.memory_space<vmem>>, vector<1000x1xf32>
    %get3A_2 = arith.constant 0 : index
    %get3A_3 = arith.constant 0 : index
    %get3A_4 = vector.load %arg1[%get3A_2, %get3A_3] : memref<1000x128xf32, #tpu.memory_space<vmem>>, vector<1000x128xf32>
    %get3A_5 = arith.constant 0 : index
    %get3A_6 = arith.constant 0 : index
    %get3A_7 = vector.load %arg2[%get3A_5, %get3A_6] : memref<1000x128xf32, #tpu.memory_space<vmem>>, vector<1000x128xf32>
    %add3A = arith.addf %get3A_4, %get3A_7 : vector<1000x128xf32>
    %mul3A = vector.broadcast %get3A_1 : vector<1000x1xf32> to vector<1000x128xf32>
    %mul3A_8 = arith.mulf %mul3A, %add3A : vector<1000x128xf32>
    %mul3A_9 = arith.constant 0.899999976 : f32
    %mul3A_10 = vector.broadcast %mul3A_9 : f32 to vector<1000x128xf32>
    %mul3A_11 = arith.mulf %mul3A_10, %mul3A_8 : vector<1000x128xf32>
    %get3A_12 = arith.constant 0 : index
    %get3A_13 = arith.constant 0 : index
    %get3A_14 = vector.load %arg4[%get3A_12, %get3A_13] : memref<128x128xf32, #tpu.memory_space<vmem>>, vector<128x128xf32>
    %dot_general3A = arith.constant dense<0.000000e+00> : vector<1000x128xf32>
    %dot_general3A_15 = tpu.matmul %mul3A_11, %get3A_14, %dot_general3A {dimension_numbers = #tpu.dot_dimension_numbers<[1], [0], [0], [1], [0, 0, 1, 1], [], []>, precision = #tpu.contract_precision<fp32>, transpose_lhs_hint = false} : vector<1000x128xf32>, vector<128x128xf32>, vector<1000x128xf32> -> vector<1000x128xf32>
    %max3A = arith.constant 0.000000e+00 : f32
    %max3A_16 = vector.broadcast %max3A : f32 to vector<1000x128xf32>
    %max3A_17 = arith.maximumf %dot_general3A_15, %max3A_16 : vector<1000x128xf32>
    %mul3A_18 = vector.broadcast %get3A_1 : vector<1000x1xf32> to vector<1000x128xf32>
    %mul3A_19 = arith.mulf %mul3A_18, %max3A_17 : vector<1000x128xf32>
    %swap3A = arith.constant 0 : index
    %swap3A_20 = arith.constant 0 : index
    %swap3A_21 = vector.load %arg5[%swap3A, %swap3A_20] : memref<1000x128xf32, #tpu.memory_space<vmem>>, vector<1000x128xf32>
    tpu.vector_store %arg5[%swap3A, %swap3A_20], %mul3A_19 {strides = array<i32>} : memref<1000x128xf32, #tpu.memory_space<vmem>>, vector<1000x128xf32>,
    return
  }
  func.func @transform_0(%arg0: i32) -> (i32, i32) {
    %c0_i32 = arith.constant 0 : i32
    %c0_i32_0 = arith.constant 0 : i32
    return %arg0, %c0_i32 : i32, i32
  }
  func.func @transform_1(%arg0: i32) -> (i32, i32) {
    %add3A = arith.constant 10 : i32
    %add3A_0 = arith.addi %add3A, %arg0 : i32
    %c0_i32 = arith.constant 0 : i32
    %c0_i32_1 = arith.constant 0 : i32
    return %add3A_0, %c0_i32 : i32, i32
  }
  func.func @transform_2(%arg0: i32) -> (i32, i32) {
    %c0_i32 = arith.constant 0 : i32
    %c0_i32_0 = arith.constant 0 : i32
    return %arg0, %c0_i32 : i32, i32
  }
  func.func @transform_3(%arg0: i32) -> (i32, i32) {
    %c0_i32 = arith.constant 0 : i32
    %c0_i32_0 = arith.constant 0 : i32
    %c0_i32_1 = arith.constant 0 : i32
    return %c0_i32, %c0_i32_0 : i32, i32
  }
  func.func @transform_4(%arg0: i32) -> (i32, i32) {
    %c0_i32 = arith.constant 0 : i32
    %c0_i32_0 = arith.constant 0 : i32
    return %arg0, %c0_i32 : i32, i32
  }
}

module attributes {stable_mosaic.version = 14 : i64} {
  func.func @_layer2_body(%arg0: i32, %arg1: memref<1000x128xf32, #tpu.memory_space<vmem>>, %arg2: memref<1000x128xf32, #tpu.memory_space<vmem>>, %arg3: memref<1000x1xf32, #tpu.memory_space<vmem>>, %arg4: memref<128x128xf32, #tpu.memory_space<vmem>>, %arg5: memref<128x128xf32, #tpu.memory_space<vmem>>, %arg6: memref<1x128xf32, #tpu.memory_space<vmem>>, %arg7: memref<1000x128xf32, #tpu.memory_space<vmem>>) attributes {dimension_semantics = [#tpu.dimension_semantics<arbitrary>], iteration_bounds = array<i64: 10>, scalar_prefetch = 0 : i64, scratch_operands = 0 : i64, tpu.core_type = #tpu.core_type<tc>, window_params = [{transform_indices = @transform_0, window_bounds = array<i64: 1000, 128>}, {transform_indices = @transform_1, window_bounds = array<i64: 1000, 128>}, {transform_indices = @transform_2, window_bounds = array<i64: 1000, 1>}, {pipeline_mode = #tpu.pipeline_mode<synchronous>, transform_indices = @transform_3, window_bounds = array<i64: 128, 128>}, {pipeline_mode = #tpu.pipeline_mode<synchronous>, transform_indices = @transform_4, window_bounds = array<i64: 128, 128>}, {pipeline_mode = #tpu.pipeline_mode<synchronous>, transform_indices = @transform_5, window_bounds = array<i64: 1, 128>}, {transform_indices = @transform_6, window_bounds = array<i64: 1000, 128>}]} {
    %get3A = arith.constant 0 : index
    %get3A_0 = arith.constant 0 : index
    %get3A_1 = vector.load %arg3[%get3A, %get3A_0] : memref<1000x1xf32, #tpu.memory_space<vmem>>, vector<1000x1xf32>
    %get3A_2 = arith.constant 0 : index
    %get3A_3 = arith.constant 0 : index
    %get3A_4 = vector.load %arg1[%get3A_2, %get3A_3] : memref<1000x128xf32, #tpu.memory_space<vmem>>, vector<1000x128xf32>
    %get3A_5 = arith.constant 0 : index
    %get3A_6 = arith.constant 0 : index
    %get3A_7 = vector.load %arg2[%get3A_5, %get3A_6] : memref<1000x128xf32, #tpu.memory_space<vmem>>, vector<1000x128xf32>
    %add3A = arith.addf %get3A_4, %get3A_7 : vector<1000x128xf32>
    %mul3A = vector.broadcast %get3A_1 : vector<1000x1xf32> to vector<1000x128xf32>
    %mul3A_8 = arith.mulf %mul3A, %add3A : vector<1000x128xf32>
    %mul3A_9 = arith.constant 0.899999976 : f32
    %mul3A_10 = vector.broadcast %mul3A_9 : f32 to vector<1000x128xf32>
    %mul3A_11 = arith.mulf %mul3A_10, %mul3A_8 : vector<1000x128xf32>
    %get3A_12 = arith.constant 0 : index
    %get3A_13 = arith.constant 0 : index
    %get3A_14 = vector.load %arg4[%get3A_12, %get3A_13] : memref<128x128xf32, #tpu.memory_space<vmem>>, vector<128x128xf32>
    %dot_general3A = arith.constant dense<0.000000e+00> : vector<1000x128xf32>
    %dot_general3A_15 = tpu.matmul %mul3A_11, %get3A_14, %dot_general3A {dimension_numbers = #tpu.dot_dimension_numbers<[1], [0], [0], [1], [0, 0, 1, 1], [], []>, precision = #tpu.contract_precision<fp32>, transpose_lhs_hint = false} : vector<1000x128xf32>, vector<128x128xf32>, vector<1000x128xf32> -> vector<1000x128xf32>
    %max3A = arith.constant 0.000000e+00 : f32
    %max3A_16 = vector.broadcast %max3A : f32 to vector<1000x128xf32>
    %max3A_17 = arith.maximumf %dot_general3A_15, %max3A_16 : vector<1000x128xf32>
    %get3A_18 = arith.constant 0 : index
    %get3A_19 = arith.constant 0 : index
    %get3A_20 = vector.load %arg5[%get3A_18, %get3A_19] : memref<128x128xf32, #tpu.memory_space<vmem>>, vector<128x128xf32>
    %dot_general3A_21 = arith.constant dense<0.000000e+00> : vector<1000x128xf32>
    %dot_general3A_22 = tpu.matmul %max3A_17, %get3A_20, %dot_general3A_21 {dimension_numbers = #tpu.dot_dimension_numbers<[1], [0], [0], [1], [0, 0, 1, 1], [], []>, precision = #tpu.contract_precision<fp32>, transpose_lhs_hint = false} : vector<1000x128xf32>, vector<128x128xf32>, vector<1000x128xf32> -> vector<1000x128xf32>
    %get3A_23 = arith.constant 0 : index
    %get3A_24 = arith.constant 0 : index
    %get3A_25 = vector.load %arg6[%get3A_23, %get3A_24] : memref<1x128xf32, #tpu.memory_space<vmem>>, vector<1x128xf32>
    %add3A_26 = vector.broadcast %get3A_25 : vector<1x128xf32> to vector<1000x128xf32>
    %add3A_27 = arith.addf %dot_general3A_22, %add3A_26 : vector<1000x128xf32>
    %swap3A = arith.constant 0 : index
    %swap3A_28 = arith.constant 0 : index
    %swap3A_29 = vector.load %arg7[%swap3A, %swap3A_28] : memref<1000x128xf32, #tpu.memory_space<vmem>>, vector<1000x128xf32>
    tpu.vector_store %arg7[%swap3A, %swap3A_28], %add3A_27 {strides = array<i32>} : memref<1000x128xf32, #tpu.memory_space<vmem>>, vector<1000x128xf32>,
    return
  }
  func.func @transform_0(%arg0: i32) -> (i32, i32) {
    %c0_i32 = arith.constant 0 : i32
    %c0_i32_0 = arith.constant 0 : i32
    return %arg0, %c0_i32 : i32, i32
  }
  func.func @transform_1(%arg0: i32) -> (i32, i32) {
    %add3A = arith.constant 10 : i32
    %add3A_0 = arith.addi %add3A, %arg0 : i32
    %c0_i32 = arith.constant 0 : i32
    %c0_i32_1 = arith.constant 0 : i32
    return %add3A_0, %c0_i32 : i32, i32
  }
  func.func @transform_2(%arg0: i32) -> (i32, i32) {
    %c0_i32 = arith.constant 0 : i32
    %c0_i32_0 = arith.constant 0 : i32
    return %arg0, %c0_i32 : i32, i32
  }
  func.func @transform_3(%arg0: i32) -> (i32, i32) {
    %c0_i32 = arith.constant 0 : i32
    %c0_i32_0 = arith.constant 0 : i32
    %c0_i32_1 = arith.constant 0 : i32
    return %c0_i32, %c0_i32_0 : i32, i32
  }
  func.func @transform_4(%arg0: i32) -> (i32, i32) {
    %c0_i32 = arith.constant 0 : i32
    %c0_i32_0 = arith.constant 0 : i32
    %c0_i32_1 = arith.constant 0 : i32
    return %c0_i32, %c0_i32_0 : i32, i32
  }
  func.func @transform_5(%arg0: i32) -> (i32, i32) {
    %c0_i32 = arith.constant 0 : i32
    %c0_i32_0 = arith.constant 0 : i32
    %c0_i32_1 = arith.constant 0 : i32
    return %c0_i32, %c0_i32_0 : i32, i32
  }
  func.func @transform_6(%arg0: i32) -> (i32, i32) {
    %c0_i32 = arith.constant 0 : i32
    %c0_i32_0 = arith.constant 0 : i32
    return %arg0, %c0_i32 : i32, i32
  }
}

</mosaic_0001>

<sc_bundles>
// kernel: kernel.11.cloned.1.call-start
scs
__scs_entry_jumppad:
0x0: {  	(pc) =	sbr.rel $0x88, $3  }
0x1: {  	(tag) =	ssettag $0x0;
	lr =	simm.s32 $0x1  }
0x2: {  	[smem:$0x3F9A] =	sst lr;
	_ =	strace $0xD0000000  }
0x3: {  	_ = 	snop  }
0x4: {  	_ = 	snop  }
0x5: {  	_ = 	snop  }
0x6: {  	_ = 	snop  }
0x7: {  	_ = 	snop  }
__scs_overlays_trampoline_lowered:
0x8: {  	[smem:$0x3FA9] =	sst s0  }
0x9: {  	[smem:$0x3FAA] =	sst s1  }
0xa: {  	[smem:$0x3FAB] =	sst s2  }
0xb: {  	[smem:$0x3FAC] =	sst s3  }
0xc: {  	[smem:$0x3FAD] =	sst s4  }
0xd: {  	[smem:$0x3FAE] =	sst s5  }
0xe: {  	[smem:$0x3FAF] =	sst s6  }
0xf: {  	[smem:$0x3FB0] =	sst s7  }
0x10: {  	[smem:$0x3FB1] =	sst s8  }
0x11: {  	[smem:$0x3FB2] =	sst s9;
	s0 =	simm.s32 @!p0 $0x0  }
0x12: {  	s1 =	sld [smem:$0x3F98];
	s0 =	simm.s32 @p0 $0x1  }
0x13: {  	[smem:$0x3FB3] =	sst s0;
	s0 =	simm.s32 @!p1 $0x0  }
0x14: {  	s2 =	sld [smem:$0x3F97];
	s0 =	simm.s32 @p1 $0x1  }
0x15: {  	[smem:$0x3FB4] =	sst s0;
	s0 =	simm.s32 @!p2 $0x0  }
0x16: {  	s3 =	sld [smem:$0x3FDB];
	s0 =	simm.s32 @p2 $0x1  }
0x17: {  	s4 =	simm.s32 $0x1BF5;
	[smem:$0x3FB6] =	sst s0  }
0x18: {  	s0 =	sld [smem:$0x3F99];
	_ =	swait.ge [sflag:s4], $0x0  }
0x19: {  	s7 =	sld [smem:$0x3F9A]  }
0x1a: {  	s8 =	sadd.s32 $0xFFFFE003, lr  }
0x1b: {  	s9 =	sadd.s32 $0xFFFFFEF7, lr;
	s5 =	simm.s32 $0xFFFFFFFF;
	p2 =	slt.u32 s8, $0xFFFFF086  }
0x1c: {  	p1 =	slt.u32 s9, $0xF7A;
	s5 =	simm.s32 @!p2 $0x0  }
0x1d: {  	s5 =	simm.s32 @p1 $0x1;
	p0 =	seq.s32 s7, s2  }
0x1e: {  	s7 =	smul.u32 @!p0 $0xF7A, s2;
	p2 =	seq.s32 @!p0 s5, $0x0  }
0x1f: {  	s9 =	smul.u32 $0xF7A, s1;
	s8 =	simm.s32 @!p0 $0x1BF5;
	p2 =	por !p2, p0  }
0x20: {  	[sflag:s8] =	ssyncset.s32 @!p0 $0xFFFFF086;
	s6 =	sadd.s32 @!p0 s3, s7;
	s7 =	simm.s32 @!p0 $0x108  }
0x21: {  	s3 =	sadd.s32 s3, s9;
	s6 =	sadd.s32 @!p0 $0x88, s6;
	s7 =	simm.s32 @p2 $0x1082  }
0x22: {  	[simem:s7], [sflag:s8] =	dma.local @!p0 [hbm:s6], $0xF7A  }
0x23: {  	s9 =	sor.u32 $0xD0000000, s2;
	s6 =	simm.s32 $0x108;
	_ =	swait.ge @!p0 [sflag:s8], $0x0  }
0x24: {  	s3 =	sadd.s32 $0x88, s3;
	s6 =	simm.s32 @!p1 $0x1082;
	[sflag:s4] =	ssyncset.s32 $0xFFFFF086  }
0x25: {  	[simem:s6], [sflag:s4] =	dma.local [hbm:s3], $0xF7A  }
0x26: {  	[smem:$0x3F9A] =	sst s1;
	(tag) =	ssettag s2;
	_ =	strace s9  }
0x27: {  	s1 =	sld [smem:$0x3FAA]  }
0x28: {  	s2 =	sld [smem:$0x3FAB]  }
0x29: {  	s4 =	sld [smem:$0x3FAD]  }
0x2a: {  	p0 =	seq.s32 s5, $0x0;
	s5 =	sld [smem:$0x3FAE]  }
0x2b: {  	s6 =	sld [smem:$0x3FAF]  }
0x2c: {  	s7 =	sld [smem:$0x3FB0]  }
0x2d: {  	s3 =	simm.s32 $0x108;
	s8 =	sld [smem:$0x3FB1]  }
0x2e: {  	s3 =	simm.s32 @!p0 $0x1082;
	s9 =	sld [smem:$0x3FB2]  }
0x2f: {  	lr =	sadd.s32 s0, s3;
	s0 =	sld [smem:$0x3FA9]  }
0x30: {  	s3 =	sld [smem:$0x3FAC]  }
0x31: {  	[smem:$0x3FB5] =	sst s10  }
0x32: {  	s10 =	sld [smem:$0x3FB3];
	_ =	sdelay $0x3  }
0x33: {  	p0 =	seq.s32 s10, $0x1;
	s10 =	sld [smem:$0x3FB5];
	_ =	sdelay $0x3  }
0x34: {  	[smem:$0x3FB5] =	sst s10  }
0x35: {  	s10 =	sld [smem:$0x3FB4];
	_ =	sdelay $0x3  }
0x36: {  	p1 =	seq.s32 s10, $0x1;
	s10 =	sld [smem:$0x3FB5];
	_ =	sdelay $0x3  }
0x37: {  	[smem:$0x3FB5] =	sst s10  }
0x38: {  	s10 =	sld [smem:$0x3FB6]  }
0x39: {  	_ = 	snop;
	(pc) =	sbr.ind lr, $3  }
0x3a: {  	_ = 	snop  }
0x3b: {  	_ = 	snop  }
0x3c: {  	p2 =	seq.s32 s10, $0x1;
	s10 =	sld [smem:$0x3FB5]  }
0x3d: {  	_ =	shalt  }
0x3e: {  	_ =	shalt  }
0x3f: {  	_ =	shalt  }
0x40: {  	_ =	shalt  }
0x41: {  	_ =	shalt  }
0x42: {  	_ =	shalt  }
0x43: {  	_ =	shalt  }
0x44: {  	_ =	shalt  }
0x45: {  	_ =	shalt  }
0x46: {  	_ =	shalt  }
0x47: {  	_ =	shalt  }
0x48: {  	_ =	shalt  }
0x49: {  	_ =	shalt  }
0x4a: {  	_ =	shalt  }
0x4b: {  	_ =	shalt  }
0x4c: {  	_ =	shalt  }
0x4d: {  	_ =	shalt  }
0x4e: {  	_ =	shalt  }
0x4f: {  	_ =	shalt  }
0x50: {  	_ =	shalt  }
0x51: {  	_ =	shalt  }
0x52: {  	_ =	shalt  }
0x53: {  	_ =	shalt  }
0x54: {  	_ =	shalt  }
0x55: {  	_ =	shalt  }
0x56: {  	_ =	shalt  }
0x57: {  	_ =	shalt  }
0x58: {  	_ =	shalt  }
0x59: {  	_ =	shalt  }
0x5a: {  	_ =	shalt  }
0x5b: {  	_ =	shalt  }
0x5c: {  	_ =	shalt  }
0x5d: {  	_ =	shalt  }
0x5e: {  	_ =	shalt  }
0x5f: {  	_ =	shalt  }
0x60: {  	_ =	shalt  }
0x61: {  	_ =	shalt  }
0x62: {  	_ =	shalt  }
0x63: {  	_ =	shalt  }
0x64: {  	_ =	shalt  }
0x65: {  	_ =	shalt  }
0x66: {  	_ =	shalt  }
0x67: {  	_ =	shalt  }
0x68: {  	_ =	shalt  }
0x69: {  	_ =	shalt  }
0x6a: {  	_ =	shalt  }
0x6b: {  	_ =	shalt  }
0x6c: {  	_ =	shalt  }
0x6d: {  	_ =	shalt  }
0x6e: {  	_ =	shalt  }
0x6f: {  	_ =	shalt  }
0x70: {  	_ =	shalt  }
0x71: {  	_ =	shalt  }
0x72: {  	_ =	shalt  }
0x73: {  	_ =	shalt  }
0x74: {  	_ =	shalt  }
0x75: {  	_ =	shalt  }
0x76: {  	_ =	shalt  }
0x77: {  	_ =	shalt  }
0x78: {  	_ =	shalt  }
0x79: {  	_ =	shalt  }
0x7a: {  	_ =	shalt  }
0x7b: {  	_ =	shalt  }
0x7c: {  	_ =	shalt  }
0x7d: {  	_ =	shalt  }
0x7e: {  	_ =	shalt  }
0x7f: {  	_ =	shalt  }
0x80: {  	_ =	shalt  }
0x81: {  	_ =	shalt  }
0x82: {  	_ =	shalt  }
0x83: {  	_ =	shalt  }
0x84: {  	_ =	shalt  }
0x85: {  	_ =	shalt  }
0x86: {  	_ =	shalt  }
0x87: {  	_ =	shalt  }
.Lfunc_end0:
.L_simem_size_0:
called_computation.1_lowered:
.L_overlay_start_0:
0x88: {  	s2 =	sld [smem:$0x3FD9]  }
0x89: {  	s3 =	sld [smem:$0x3FFE];
	_ =	sdelay $0x1  }
0x8a: {  	s1 =	srdreg.scid  }
0x8b: {  	s0 =	sand.u32 $0x1, s1  }
0x8c: {  	s17 =	sshll.u32 s0, $0xA;
	s2 =	sadd.s32 s3, s2  }
0x8d: {  	s2 =	sadd.s32 s2, s17  }
0x8e: {  	[smem:$0x3FC1] =	sst s2  }
0x8f: {  	_ = 	snop  }
0x90: {  	s2 =	sld [smem:$0x3FD0];
	(tm) =	ssettm $0x1  }
0x91: {  	s18 =	sld [smem:$0x3FFB];
	_ =	sdelay $0x3  }
0x92: {  	_ =	strace s18  }
0x93: {  	s3 =	sld [smem:$0x3FFC];
	_ =	sdelay $0x3  }
0x94: {  	_ =	strace s3  }
0x95: {  	s3 =	sld [smem:$0x3FFD];
	_ =	sdelay $0x3  }
0x96: {  	_ =	strace s3  }
0x97: {  	_ =	strace $0x8FFFFFFF  }
0x98: {  	s19 =	sld [smem:$0x3FDB];
	_ =	sdelay $0x1  }
0x99: {  	s4 =	simm.s32 $_scs_section_size  }
0x9a: {  	s5 =	simm.s32 $_size__tile_overlayer_lowered;
	s6 =	simm.s32 $_tile_overlayer_lowered  }
0x9b: {  	s22 =	simm.s32 $0x1BFF;
	s21 =	sshll.u32 s6, $0x1;
	s3 =	sadd.s32 s4, s19  }
0x9c: {  	s7 =	simm.s32 $0x0;
	s20 =	sshll.u32 s5, $0x1;
	s5 =	sadd.s32 s21, s3  }
0x9d: {  	[timem:s7], [sflag:s22] =	dma.local [hbm:s5], s20  }
0x9e: {  	_ =	swait.ge [sflag:s22], s20  }
0x9f: {  	s4 =	ssub.s32 $0x0, s20;
	[sflag:s22] =	ssyncset.done $0x0  }
0xa0: {  	[sflag:s22] =	ssyncadd.s32 s4;
	_ =	sdelay $0x1  }
0xa1: {  	s23 =	simm.s32 $0x1B8B  }
0xa2: {  	_ =	swait.ge [sflag:s23], $0x1  }
0xa3: {  	[sflag:s23] =	ssyncset.done $0x0  }
0xa4: {  	s25 =	simm.s32 $0x1B8E;
	s24 =	sld [smem:$0x3FFE];
	[sflag:s23] =	ssyncadd.s32 $0xFFFFFFFF  }
0xa5: {  	s26 =	simm.s32 $execute0_lowered;
	[smem:$0x3FD2] =	sst s25  }
0xa6: {  	s5 =	sshll.u32 s26, $0x1;
	_ =	strace $0x80000049;
	[dreg:$0x1] =	wrdreg $0xFFFFFFFF  }
0xa7: {  	s28 =	simm.s32 $_size_execute0_lowered;
	s3 =	sadd.s32 s3, s5;
	[dreg:$0x0] =	wrdreg $0x0  }
0xa8: {  	s5 =	sshll.u32 s28, $0x1;
	[dreg:$0x2] =	wrdreg s3  }
0xa9: {  	[dreg:$0x3] =	wrdreg s5  }
0xaa: {  	[dreg:$0x4] =	wrdreg $0xC0  }
0xab: {  	_ =	task [dreg:s7], $0x5FFFF  }
0xac: {  	[dreg:$0x1] =	wrdreg $0xFFFFFFFF  }
0xad: {  	[dreg:$0x0] =	wrdreg $0x60  }
0xae: {  	[dreg:$0x2] =	wrdreg s2  }
0xaf: {  	[dreg:$0x3] =	wrdreg s24  }
0xb0: {  	[dreg:$0x4] =	wrdreg $0x91000  }
0xb1: {  	[dreg:$0x5] =	wrdreg $0x9  }
0xb2: {  	_ =	task.clear_ibuf [dreg:s7], $0x6FFFF;
	_ =	strace $0x90000049  }
0xb3: {  	s29 =	simm.s32 $0x9;
	_ =	strace $0x8000004B  }
0xb4: {  	_ =	swait.ge [sflag:s29], $0x1  }
0xb5: {  	[sflag:s29] =	ssyncadd.s32 $0xFFFFFFFF  }
0xb6: {  	_ =	strace $0x9000004B  }
0xb7: {  	_ =	sfence  }
0xb8: {  	s30 =	sld [smem:$0x0];
	_ =	sdelay $0x2  }
0xb9: {  	s31 =	sshll.u32 s1, $0xD;
	s1 =	sshrl.u32 s1, $0x2  }
0xba: {  	s3 =	sand.u32 $0x4000, s31;
	s1 =	sadd.s32 s1, s30  }
0xbb: {  	s0 =	sor.u32 s3, s0;
	s1 =	sshll.u32 s1, $0x11  }
0xbc: {  	s0 =	sor.u32 s1, s0  }
0xbd: {  	s0 =	sadd.s32 $0x8F2B, s0  }
0xbe: {  	[sflag:s0] =	ssyncadd.remote.s32 $0x1  }
0xbf: {  	_ =	sfence.sel $0xFFFF  }
0xc0: {  	[dreg:$0x0] =	wrdreg $0xFFFFFFFF;
	(pc) =	sbr.abs _section_cstart, $3  }
0xc1: {  	[dreg:$0x1] =	wrdreg $0xFFFFFFFF  }
0xc2: {  	_ =	task.clear_ibuf [dreg:s7], $0x2FFFF;
	_ =	strace $0x9FFFFFFF  }
0xc3: {  	(tm) =	ssettm $0x7FFFFFFF  }
tec
execute0_lowered:
.L_overlay_start_1:
0x0: {  	(tag) =	ssettag $0x1  }
0x1: {  	s1 =	rddreg [dreg:$0x0]  }
0x2: {  	s0 =	rddreg [dreg:$0x1]  }
0x3: {  	s2 =	rddreg [dreg:$0x2]  }
0x4: {  	s4 =	srdreg.scid;
	s3 =	simm.s32 $0x0;
	s7 =	stileid.u32  }
0x5: {  	s28 =	simm.s32 $0x6;
	s29 =	simm.s32 $0x6900;
	s30 =	simm.s32 $0x2  }
0x6: {  	s31 =	simm.s32 $0x3;
	s4 =	sand.u32 $0x1, s4;
	[smem:$0x7FF] =	sst s3  }
0x7: {  	s11 =	sadd.s32 $0x26400, s0;
	s8 =	sadd.s32 $0xC600, s0;
	s5 =	sshll.u32 s4, $0x4  }
0x8: {  	_ =	strace $0x8000004A;
	s19 =	ssub.s32 $0x2, s4;
	s22 =	smul.u32 $0x2710, s4  }
0x9: {  	p4 =	seq.s32 s4, $0x1;
	[dreg:$0x4] =	wrdreg s11;
	s4 =	smul.u32 $0x27100, s4  }
0xa: {  	s5 =	sor.u32 s7, s5;
	s7 =	smul.u32 $0x270, s7;
	s10 =	sshrl.u32 s19, $0x1  }
0xb: {  	s6 =	sshll.u32 s5, $0xB;
	s15 =	ssub.s32 s19, s10;
	s5 =	smul.u32 $0x2710, s5  }
0xc: {  	s9 =	sadd.s32 s6, s0;
	s0 =	sadd.s32 $0x4D600, s0;
	s7 =	sadd.s32 $0x10, s7  }
0xd: {  	s15 =	smax.u32 s15, $0x1;
	s20 =	sshll.u32 s7, $0x7;
	s21 =	sshll.u32 s7, $0x4  }
0xe: {  	s9 =	sadd.s32 $0x16400, s9;
	s5 =	sshrl.u32 s5, $0x3;
	s23 =	sadd.s32 s22, s7  }
0xf: {  	s14 =	sadd.s32 s0, s4;
	s22 =	simm.s32 $0x80;
	s6 =	sadd.s32 s20, s2  }
0x10: {  	s12 =	sadd.s32 s1, s21;
	s10 =	sadd.s32 s11, s21;
	[dreg:$0x7] =	wrdreg s9  }
0x11: {  	s9 =	stileid.u32;
	s20 =	simm.s32 $0x100;
	[dreg:$0x5] =	wrdreg s12  }
0x12: {  	s21 =	simm.s32 $0x7;
	[dreg:$0x6] =	wrdreg s10;
	s10 =	sadd.s32 s8, s5  }
0x13: {  	s24 =	smul.u32 $0x2710, s9;
	s5 =	sshll.u32 s23, $0x4;
	p0 =	sne.s32 s9, $0x0  }
0x14: {  	s23 =	simm.s32 $0x5;
	s25 =	sadd.s32 $0xA, s10;
	s12 =	sadd.s32 $0x14, s10  }
0x15: {  	s13 =	sadd.s32 s0, s5;
	p1 =	por !p4, !p0;
	p2 =	por p4, !p0  }
0x16: {  	p3 =	por !p4, p0;
	p4 =	por p4, p0;
	s5 =	simm.s32 $0x0  }
0x17: {  	[dreg:$0x8] =	wrdreg s25;
	s26 =	sadd.s32 s24, s4;
	s19 =	sshrl.u32 @!p1 s6, $0x3  }
0x18: {  	s24 =	simm.s32 $0x50;
	s25 =	simm.s32 $0x4100;
	s4 =	sadd.s32 $0x140, s26  }
0x19: {  	s0 =	sadd.s32 $0xF0, s26;
	s26 =	simm.s32 $0x1;
	s4 =	sshrl.u32 s4, $0x3  }
0x1a: {  	s0 =	sshrl.u32 s0, $0x3;
	s16 =	sadd.s32 s4, s8;
	s4 =	sshll.u32 @!p1 s9, $0x6  }
0x1b: {  	s17 =	sadd.s32 s0, s8;
	s0 =	simm.s32 $0x4;
	s18 =	sor.u32 @!p1 $0x1C07, s4  }
.LBB2_1:
0x1c: {  	s4 =	rddreg [dreg:$0x6]  }
0x1d: {  	[spmem:s19], [sflag:s18] =	dma.local @!p1 [hbm:s4], $0x2700  }
0x1e: {  	s4 =	simm.s32 @!p1 $0x7  }
0x1f: {  	_ =	swait.ge @!p1 [sflag:s4], $0x2700  }
0x20: {  	s7 =	sshll.u32 @!p2 s9, $0x6;
	[sflag:s4] =	ssyncset.done @!p1 $0x0;
	s8 =	rddreg [dreg:$0x5]  }
0x21: {  	[sflag:s4] =	ssyncadd.s32 @!p1 $0xFFFFD900;
	s4 =	sor.u32 @!p2 $0x1C07, s7;
	s7 =	sshrl.u32 @!p2 s6, $0x3  }
0x22: {  	[spmem:s7], [sflag:s4] =	dma.local @!p2 [hbm:s8], $0x2700  }
0x23: {  	s4 =	simm.s32 @!p2 $0x7  }
0x24: {  	_ =	swait.ge @!p2 [sflag:s4], $0x2700  }
0x25: {  	s7 =	sshrl.u32 @!p3 s2, $0x3;
	[sflag:s4] =	ssyncset.done @!p2 $0x0  }
0x26: {  	s8 =	rddreg [dreg:$0x4];
	[sflag:s4] =	ssyncadd.s32 @!p2 $0xFFFFD900;
	s4 =	simm.s32 @!p0 $0x1C07  }
0x27: {  	[spmem:s7], [sflag:s4] =	dma.local @!p3 [hbm:s8], $0x2800  }
0x28: {  	s7 =	simm.s32 @!p3 $0x7  }
0x29: {  	_ =	swait.ge @!p3 [sflag:s7], $0x2800  }
0x2a: {  	[sflag:s7] =	ssyncset.done @!p3 $0x0  }
0x2b: {  	[sflag:s7] =	ssyncadd.s32 @!p3 $0xFFFFD800;
	s7 =	sshrl.u32 @!p4 s2, $0x3  }
0x2c: {  	[spmem:s7], [sflag:s4] =	dma.local @!p4 [hbm:s1], $0x2800  }
0x2d: {  	s4 =	simm.s32 @!p4 $0x7  }
0x2e: {  	_ =	swait.ge @!p4 [sflag:s4], $0x2800  }
0x2f: {  	[sflag:s4] =	ssyncset.done @!p4 $0x0  }
0x30: {  	s11 =	rddreg [dreg:$0x7];
	[sflag:s4] =	ssyncadd.s32 @!p4 $0xFFFFD800  }
0x31: {  	[tilespmem:s20], [sflag:$0x7] =	stream.linear.gather [hbm4b:s11+s3], $0x3E80, $0x38;
	[tilespmem:$0x1C980] =	vst v63  }
0x32: {  	_ =	swait.ge [sflag:s21], $0x3E80  }
0x33: {  	[sflag:s21] =	ssyncset.done $0x0  }
0x34: {  	[sflag:s21] =	ssyncadd.s32 $0xFFFFC180  }
0x35: {  	[bflag:$0x0] =	sbarrier.arrive $0xFFFF  }
0x36: {  	[tilespmem:s3], [sflag:$0x5] =	stream.linear.gather [hbm4b:s10+s3], $0x50, $0x38;
	[tilespmem:$0x1C980] =	vst v63  }
0x37: {  	s7 =	rddreg [dreg:$0x8]  }
0x38: {  	[tilespmem:s22], [sflag:$0x6] =	stream.linear.gather [hbm4b:s7+s3], $0x50, $0x38;
	[tilespmem:$0x1C980] =	vst v63  }
0x39: {  	_ =	swait.ge [sflag:s23], $0x50  }
0x3a: {  	[sflag:s23] =	ssyncset.done $0x0  }
0x3b: {  	[sflag:s23] =	ssyncadd.s32 $0xFFFFFFB0  }
0x3c: {  	[tilespmem:s25], [sflag:$0x1] =	stream.indirect.gather [hbm4b:s1+s24], $0x80, s3, s24, $0xb8;
	[tilespmem:$0x1C980] =	vst v63  }
0x3d: {  	_ =	swait.ge [sflag:s26], $0x2800  }
0x3e: {  	[sflag:s26] =	ssyncset.done $0x0  }
0x3f: {  	[sflag:s26] =	ssyncadd.s32 $0xFFFFD800  }
0x40: {  	[tilespmem:s3], [sflag:$0x5] =	stream.linear.gather [hbm4b:s12+s3], $0x50, $0x38;
	[tilespmem:$0x1C980] =	vst v63  }
0x41: {  	_ =	swait.ge [sflag:s28], $0x50  }
0x42: {  	[sflag:s28] =	ssyncset.done $0x0  }
0x43: {  	[sflag:s28] =	ssyncadd.s32 $0xFFFFFFB0  }
0x44: {  	[tilespmem:s29], [sflag:$0x2] =	stream.indirect.gather [hbm4b:s1+s24], $0x80, s22, s24, $0xb8;
	[tilespmem:$0x1C980] =	vst v63  }
0x45: {  	_ = 	snop  }
0x46: {  	[spmem:s2] =	stream.indirect.scatter.add.f32 [tilespmem:s25], [sflag:$0x3], $0x80, s20, s24, $0xb8;
	[tilespmem:$0x1C980] =	vst v63  }
0x47: {  	_ =	swait.ge [sflag:s30], $0x2800  }
0x48: {  	[sflag:s30] =	ssyncset.done $0x0  }
0x49: {  	s8 =	sadd.s32 $0x0, s17;
	[sflag:s30] =	ssyncadd.s32 $0xFFFFD800  }
0x4a: {  	[tilespmem:s22], [sflag:$0x6] =	stream.linear.gather [hbm4b:s8+s3], $0x50, $0x38;
	[tilespmem:$0x1C980] =	vst v63  }
0x4b: {  	_ =	swait.ge [sflag:s31], $0x2800  }
0x4c: {  	[sflag:s31] =	ssyncset.done $0x0  }
0x4d: {  	[sflag:s31] =	ssyncadd.s32 $0xFFFFD800  }
0x4e: {  	_ =	swait.ge [sflag:s23], $0x50  }
0x4f: {  	[sflag:s23] =	ssyncset.done $0x0  }
0x50: {  	[sflag:s23] =	ssyncadd.s32 $0xFFFFFFB0  }
0x51: {  	[tilespmem:s25], [sflag:$0x1] =	stream.indirect.gather [hbm4b:s1+s24], $0x80, s3, s24, $0xb8;
	[tilespmem:$0x1C980] =	vst v63  }
0x52: {  	s9 =	simm.s32 $0x180  }
0x53: {  	[spmem:s2] =	stream.indirect.scatter.add.f32 [tilespmem:s29], [sflag:$0x4], $0x80, s9, s24, $0xb8;
	[tilespmem:$0x1C980] =	vst v63  }
0x54: {  	_ =	swait.ge [sflag:s26], $0x2800  }
0x55: {  	[sflag:s26] =	ssyncset.done $0x0  }
0x56: {  	s11 =	sadd.s32 $0x0, s16;
	[sflag:s26] =	ssyncadd.s32 $0xFFFFD800  }
0x57: {  	[tilespmem:s3], [sflag:$0x5] =	stream.linear.gather [hbm4b:s11+s3], $0x50, $0x38;
	[tilespmem:$0x1C980] =	vst v63  }
0x58: {  	_ =	swait.ge [sflag:s0], $0x2800  }
0x59: {  	[sflag:s0] =	ssyncset.done $0x0  }
0x5a: {  	[sflag:s0] =	ssyncadd.s32 $0xFFFFD800  }
0x5b: {  	_ =	swait.ge [sflag:s28], $0x50  }
0x5c: {  	s4 =	simm.s32 $0x200;
	[sflag:s28] =	ssyncset.done $0x0  }
0x5d: {  	s7 =	simm.s32 $0x14;
	s8 =	simm.s32 $0x300;
	[sflag:s28] =	ssyncadd.s32 $0xFFFFFFB0  }
0x5e: {  	[tilespmem:s29], [sflag:$0x2] =	stream.indirect.gather [hbm4b:s1+s24], $0x80, s22, s24, $0xb8;
	[tilespmem:$0x1C980] =	vst v63  }
.LBB2_2:
0x5f: {  	[spmem:s2] =	stream.indirect.scatter.add.f32 [tilespmem:s25], [sflag:$0x3], $0x80, s4, s24, $0xb8;
	[tilespmem:$0x1C980] =	vst v63  }
0x60: {  	s9 =	smov.u32 s7;
	s4 =	smov.u32 s8  }
0x61: {  	p5 =	sne.s32 s7, $0x4B0;
	s7 =	sadd.s32 $0x14, s7;
	_ =	swait.ge [sflag:s30], $0x2800  }
0x62: {  	[sflag:s30] =	ssyncset.done $0x0  }
0x63: {  	s11 =	sadd.s32 s9, s17;
	[sflag:s30] =	ssyncadd.s32 $0xFFFFD800  }
0x64: {  	[tilespmem:s22], [sflag:$0x6] =	stream.linear.gather [hbm4b:s11+s3], $0x50, $0x38;
	[tilespmem:$0x1C980] =	vst v63  }
0x65: {  	_ =	swait.ge [sflag:s31], $0x2800  }
0x66: {  	[sflag:s31] =	ssyncset.done $0x0  }
0x67: {  	[sflag:s31] =	ssyncadd.s32 $0xFFFFD800  }
0x68: {  	_ =	swait.ge [sflag:s23], $0x50  }
0x69: {  	[sflag:s23] =	ssyncset.done $0x0  }
0x6a: {  	[sflag:s23] =	ssyncadd.s32 $0xFFFFFFB0  }
0x6b: {  	[tilespmem:s25], [sflag:$0x1] =	stream.indirect.gather [hbm4b:s1+s24], $0x80, s3, s24, $0xb8;
	[tilespmem:$0x1C980] =	vst v63  }
0x6c: {  	s11 =	sadd.s32 $0xFFFFFF80, s8  }
0x6d: {  	[spmem:s2] =	stream.indirect.scatter.add.f32 [tilespmem:s29], [sflag:$0x4], $0x80, s11, s24, $0xb8;
	[tilespmem:$0x1C980] =	vst v63  }
0x6e: {  	_ =	swait.ge [sflag:s26], $0x2800  }
0x6f: {  	[sflag:s26] =	ssyncset.done $0x0  }
0x70: {  	s9 =	sadd.s32 s9, s16;
	[sflag:s26] =	ssyncadd.s32 $0xFFFFD800  }
0x71: {  	[tilespmem:s3], [sflag:$0x5] =	stream.linear.gather [hbm4b:s9+s3], $0x50, $0x38;
	[tilespmem:$0x1C980] =	vst v63  }
0x72: {  	_ =	swait.ge [sflag:s0], $0x2800  }
0x73: {  	[sflag:s0] =	ssyncset.done $0x0  }
0x74: {  	[sflag:s0] =	ssyncadd.s32 $0xFFFFD800  }
.Ltmp0:
0x75: {  	_ =	swait.ge [sflag:s28], $0x50;
	(pc) =	sbr.rel @p5 .LBB2_2-.Ltmp0, $4  }
0x76: {  	[sflag:s28] =	ssyncset.done $0x0  }
0x77: {  	[sflag:s28] =	ssyncadd.s32 $0xFFFFFFB0  }
0x78: {  	[tilespmem:s29], [sflag:$0x2] =	stream.indirect.gather [hbm4b:s1+s24], $0x80, s22, s24, $0xb8;
	[tilespmem:$0x1C980] =	vst v63  }
0x79: {  	s8 =	sadd.s32 $0x100, s8  }
0x7a: {  	[spmem:s2] =	stream.indirect.scatter.add.f32 [tilespmem:s25], [sflag:$0x3], $0x80, s4, s24, $0xb8;
	[tilespmem:$0x1C980] =	vst v63  }
0x7b: {  	_ =	swait.ge [sflag:s30], $0x2800  }
0x7c: {  	[sflag:s30] =	ssyncset.done $0x0  }
0x7d: {  	[sflag:s30] =	ssyncadd.s32 $0xFFFFD800  }
0x7e: {  	_ =	swait.ge [sflag:s31], $0x2800  }
0x7f: {  	[sflag:s31] =	ssyncset.done $0x0  }
0x80: {  	[sflag:s31] =	ssyncadd.s32 $0xFFFFD800  }
0x81: {  	_ =	swait.ge [sflag:s23], $0x50  }
0x82: {  	[sflag:s23] =	ssyncset.done $0x0  }
0x83: {  	[sflag:s23] =	ssyncadd.s32 $0xFFFFFFB0  }
0x84: {  	[tilespmem:s25], [sflag:$0x1] =	stream.indirect.gather [hbm4b:s1+s24], $0x80, s3, s24, $0xb8;
	[tilespmem:$0x1C980] =	vst v63  }
0x85: {  	s9 =	simm.s32 $0x3E80  }
0x86: {  	[spmem:s2] =	stream.indirect.scatter.add.f32 [tilespmem:s29], [sflag:$0x4], $0x80, s9, s24, $0xb8;
	[tilespmem:$0x1C980] =	vst v63  }
0x87: {  	_ =	swait.ge [sflag:s26], $0x2800  }
0x88: {  	[sflag:s26] =	ssyncset.done $0x0  }
0x89: {  	[sflag:s26] =	ssyncadd.s32 $0xFFFFD800  }
0x8a: {  	_ =	swait.ge [sflag:s0], $0x2800  }
0x8b: {  	[sflag:s0] =	ssyncset.done $0x0  }
0x8c: {  	s11 =	simm.s32 $0x3F00;
	[sflag:s0] =	ssyncadd.s32 $0xFFFFD800  }
0x8d: {  	[spmem:s2] =	stream.indirect.scatter.add.f32 [tilespmem:s25], [sflag:$0x3], $0x80, s11, s24, $0xb8;
	[tilespmem:$0x1C980] =	vst v63  }
0x8e: {  	_ =	swait.ge [sflag:s31], $0x2800  }
0x8f: {  	s9 =	stileid.u32;
	[sflag:s31] =	ssyncset.done $0x0  }
0x90: {  	s4 =	sshll.u32 @p0 s9, $0x6;
	[sflag:s31] =	ssyncadd.s32 $0xFFFFD800  }
0x91: {  	s7 =	sshrl.u32 @p0 s6, $0x3;
	s4 =	sor.u32 @p0 $0x1C07, s4;
	[bflag:$0x0] =	sbarrier.arrive $0xFFFF  }
0x92: {  	[hbm:s13], [sflag:s4] =	dma.local @p0 [spmem:s7], $0x2700  }
0x93: {  	s4 =	simm.s32 @p0 $0x7  }
0x94: {  	s5 =	sadd.s32 $0x1, s5;
	_ =	swait.ge @p0 [sflag:s4], $0x2700  }
0x95: {  	p5 =	sne.s32 s5, s15;
	[sflag:s4] =	ssyncset.done @p0 $0x0  }
0x96: {  	s7 =	simm.s32 @!p0 $0x1C07;
	[sflag:s4] =	ssyncadd.s32 @p0 $0xFFFFD900;
	s4 =	sshrl.u32 @!p0 s2, $0x3  }
0x97: {  	[hbm:s14], [sflag:s7] =	dma.local @!p0 [spmem:s4], $0x2800  }
.Ltmp1:
0x98: {  	_ = 	snop;
	(pc) =	sbr.rel @p5 .LBB2_1-.Ltmp1, $4  }
0x99: {  	s4 =	simm.s32 @!p0 $0x7  }
0x9a: {  	_ =	swait.ge @!p0 [sflag:s4], $0x2800  }
0x9b: {  	[sflag:s4] =	ssyncset.done @!p0 $0x0  }
0x9c: {  	[sflag:s4] =	ssyncadd.s32 @!p0 $0xFFFFD800  }
0x9d: {  	_ =	sfence.sel $0x180000  }
0x9e: {  	[bflag:$0x0] =	sbarrier.arrive $0xFFFF  }
0x9f: {  	_ =	strace $0x9000004A  }
0xa0: {  	[bflag:$0x2] =	sbarrier.arrive $0xFFFF  }
0xa1: {  	s0 =	rddreg [dreg:$0x3]  }
0xa2: {  	s0 =	sadd.s32 @!p0 $0x100000, s0  }
0xa3: {  	[sflag:s0] =	ssyncadd.tile.s32 @!p0 $0x1;
	_ =	shalt  }
.Lfunc_end2:
_tile_overlayer_lowered:
.L_overlay_start_2:
0xa4: {  	(tag) =	ssettag $0x2  }
0xa5: {  	s0 =	rddreg [dreg:$0x0];
	s2 =	stileid.u32  }
0xa6: {  	s1 =	rddreg [dreg:$0x1];
	p0 =	sne.s32 s2, $0x0  }
0xa7: {  	s3 =	rddreg [dreg:$0x2];
	[bflag:$0x3] =	sbarrier.arrive $0xFFFF;
	s2 =	simm.s32 @!p0 $0x1C07  }
0xa8: {  	[timem:s3], [sflag:s2] =	dma.local @!p0 [hbm:s0], s1  }
0xa9: {  	s0 =	simm.s32 @!p0 $0x7  }
0xaa: {  	_ =	swait.ge @!p0 [sflag:s0], s1  }
0xab: {  	s1 =	ssub.s32 @!p0 $0x0, s1;
	[sflag:s0] =	ssyncset.done @!p0 $0x0  }
0xac: {  	[sflag:s0] =	ssyncadd.s32 @!p0 s1  }
0xad: {  	[bflag:$0x3] =	sbarrier.arrive $0xFFFF  }
0xae: {  	_ =	shalt  }

// kernel: kernel.14.cloned.1.call-start
scs
__scs_entry_jumppad:
0x0: {  	(pc) =	sbr.rel $0x88, $3  }
0x1: {  	(tag) =	ssettag $0x0;
	lr =	simm.s32 $0x1  }
0x2: {  	[smem:$0x3F9A] =	sst lr;
	_ =	strace $0xD0000000  }
0x3: {  	_ = 	snop  }
0x4: {  	_ = 	snop  }
0x5: {  	_ = 	snop  }
0x6: {  	_ = 	snop  }
0x7: {  	_ = 	snop  }
__scs_overlays_trampoline_lowered:
0x8: {  	[smem:$0x3FA9] =	sst s0  }
0x9: {  	[smem:$0x3FAA] =	sst s1  }
0xa: {  	[smem:$0x3FAB] =	sst s2  }
0xb: {  	[smem:$0x3FAC] =	sst s3  }
0xc: {  	[smem:$0x3FAD] =	sst s4  }
0xd: {  	[smem:$0x3FAE] =	sst s5  }
0xe: {  	[smem:$0x3FAF] =	sst s6  }
0xf: {  	[smem:$0x3FB0] =	sst s7  }
0x10: {  	[smem:$0x3FB1] =	sst s8  }
0x11: {  	[smem:$0x3FB2] =	sst s9;
	s0 =	simm.s32 @!p0 $0x0  }
0x12: {  	s1 =	sld [smem:$0x3F98];
	s0 =	simm.s32 @p0 $0x1  }
0x13: {  	[smem:$0x3FB3] =	sst s0;
	s0 =	simm.s32 @!p1 $0x0  }
0x14: {  	s2 =	sld [smem:$0x3F97];
	s0 =	simm.s32 @p1 $0x1  }
0x15: {  	[smem:$0x3FB4] =	sst s0;
	s0 =	simm.s32 @!p2 $0x0  }
0x16: {  	s3 =	sld [smem:$0x3FDB];
	s0 =	simm.s32 @p2 $0x1  }
0x17: {  	s4 =	simm.s32 $0x1BF5;
	[smem:$0x3FB6] =	sst s0  }
0x18: {  	s0 =	sld [smem:$0x3F99];
	_ =	swait.ge [sflag:s4], $0x0  }
0x19: {  	s7 =	sld [smem:$0x3F9A]  }
0x1a: {  	s8 =	sadd.s32 $0xFFFFE003, lr  }
0x1b: {  	s9 =	sadd.s32 $0xFFFFFEF7, lr;
	s5 =	simm.s32 $0xFFFFFFFF;
	p2 =	slt.u32 s8, $0xFFFFF086  }
0x1c: {  	p1 =	slt.u32 s9, $0xF7A;
	s5 =	simm.s32 @!p2 $0x0  }
0x1d: {  	s5 =	simm.s32 @p1 $0x1;
	p0 =	seq.s32 s7, s2  }
0x1e: {  	s7 =	smul.u32 @!p0 $0xF7A, s2;
	p2 =	seq.s32 @!p0 s5, $0x0  }
0x1f: {  	s9 =	smul.u32 $0xF7A, s1;
	s8 =	simm.s32 @!p0 $0x1BF5;
	p2 =	por !p2, p0  }
0x20: {  	[sflag:s8] =	ssyncset.s32 @!p0 $0xFFFFF086;
	s6 =	sadd.s32 @!p0 s3, s7;
	s7 =	simm.s32 @!p0 $0x108  }
0x21: {  	s3 =	sadd.s32 s3, s9;
	s6 =	sadd.s32 @!p0 $0x88, s6;
	s7 =	simm.s32 @p2 $0x1082  }
0x22: {  	[simem:s7], [sflag:s8] =	dma.local @!p0 [hbm:s6], $0xF7A  }
0x23: {  	s9 =	sor.u32 $0xD0000000, s2;
	s6 =	simm.s32 $0x108;
	_ =	swait.ge @!p0 [sflag:s8], $0x0  }
0x24: {  	s3 =	sadd.s32 $0x88, s3;
	s6 =	simm.s32 @!p1 $0x1082;
	[sflag:s4] =	ssyncset.s32 $0xFFFFF086  }
0x25: {  	[simem:s6], [sflag:s4] =	dma.local [hbm:s3], $0xF7A  }
0x26: {  	[smem:$0x3F9A] =	sst s1;
	(tag) =	ssettag s2;
	_ =	strace s9  }
0x27: {  	s1 =	sld [smem:$0x3FAA]  }
0x28: {  	s2 =	sld [smem:$0x3FAB]  }
0x29: {  	s4 =	sld [smem:$0x3FAD]  }
0x2a: {  	p0 =	seq.s32 s5, $0x0;
	s5 =	sld [smem:$0x3FAE]  }
0x2b: {  	s6 =	sld [smem:$0x3FAF]  }
0x2c: {  	s7 =	sld [smem:$0x3FB0]  }
0x2d: {  	s3 =	simm.s32 $0x108;
	s8 =	sld [smem:$0x3FB1]  }
0x2e: {  	s3 =	simm.s32 @!p0 $0x1082;
	s9 =	sld [smem:$0x3FB2]  }
0x2f: {  	lr =	sadd.s32 s0, s3;
	s0 =	sld [smem:$0x3FA9]  }
0x30: {  	s3 =	sld [smem:$0x3FAC]  }
0x31: {  	[smem:$0x3FB5] =	sst s10  }
0x32: {  	s10 =	sld [smem:$0x3FB3];
	_ =	sdelay $0x3  }
0x33: {  	p0 =	seq.s32 s10, $0x1;
	s10 =	sld [smem:$0x3FB5];
	_ =	sdelay $0x3  }
0x34: {  	[smem:$0x3FB5] =	sst s10  }
0x35: {  	s10 =	sld [smem:$0x3FB4];
	_ =	sdelay $0x3  }
0x36: {  	p1 =	seq.s32 s10, $0x1;
	s10 =	sld [smem:$0x3FB5];
	_ =	sdelay $0x3  }
0x37: {  	[smem:$0x3FB5] =	sst s10  }
0x38: {  	s10 =	sld [smem:$0x3FB6]  }
0x39: {  	_ = 	snop;
	(pc) =	sbr.ind lr, $3  }
0x3a: {  	_ = 	snop  }
0x3b: {  	_ = 	snop  }
0x3c: {  	p2 =	seq.s32 s10, $0x1;
	s10 =	sld [smem:$0x3FB5]  }
0x3d: {  	_ =	shalt  }
0x3e: {  	_ =	shalt  }
0x3f: {  	_ =	shalt  }
0x40: {  	_ =	shalt  }
0x41: {  	_ =	shalt  }
0x42: {  	_ =	shalt  }
0x43: {  	_ =	shalt  }
0x44: {  	_ =	shalt  }
0x45: {  	_ =	shalt  }
0x46: {  	_ =	shalt  }
0x47: {  	_ =	shalt  }
0x48: {  	_ =	shalt  }
0x49: {  	_ =	shalt  }
0x4a: {  	_ =	shalt  }
0x4b: {  	_ =	shalt  }
0x4c: {  	_ =	shalt  }
0x4d: {  	_ =	shalt  }
0x4e: {  	_ =	shalt  }
0x4f: {  	_ =	shalt  }
0x50: {  	_ =	shalt  }
0x51: {  	_ =	shalt  }
0x52: {  	_ =	shalt  }
0x53: {  	_ =	shalt  }
0x54: {  	_ =	shalt  }
0x55: {  	_ =	shalt  }
0x56: {  	_ =	shalt  }
0x57: {  	_ =	shalt  }
0x58: {  	_ =	shalt  }
0x59: {  	_ =	shalt  }
0x5a: {  	_ =	shalt  }
0x5b: {  	_ =	shalt  }
0x5c: {  	_ =	shalt  }
0x5d: {  	_ =	shalt  }
0x5e: {  	_ =	shalt  }
0x5f: {  	_ =	shalt  }
0x60: {  	_ =	shalt  }
0x61: {  	_ =	shalt  }
0x62: {  	_ =	shalt  }
0x63: {  	_ =	shalt  }
0x64: {  	_ =	shalt  }
0x65: {  	_ =	shalt  }
0x66: {  	_ =	shalt  }
0x67: {  	_ =	shalt  }
0x68: {  	_ =	shalt  }
0x69: {  	_ =	shalt  }
0x6a: {  	_ =	shalt  }
0x6b: {  	_ =	shalt  }
0x6c: {  	_ =	shalt  }
0x6d: {  	_ =	shalt  }
0x6e: {  	_ =	shalt  }
0x6f: {  	_ =	shalt  }
0x70: {  	_ =	shalt  }
0x71: {  	_ =	shalt  }
0x72: {  	_ =	shalt  }
0x73: {  	_ =	shalt  }
0x74: {  	_ =	shalt  }
0x75: {  	_ =	shalt  }
0x76: {  	_ =	shalt  }
0x77: {  	_ =	shalt  }
0x78: {  	_ =	shalt  }
0x79: {  	_ =	shalt  }
0x7a: {  	_ =	shalt  }
0x7b: {  	_ =	shalt  }
0x7c: {  	_ =	shalt  }
0x7d: {  	_ =	shalt  }
0x7e: {  	_ =	shalt  }
0x7f: {  	_ =	shalt  }
0x80: {  	_ =	shalt  }
0x81: {  	_ =	shalt  }
0x82: {  	_ =	shalt  }
0x83: {  	_ =	shalt  }
0x84: {  	_ =	shalt  }
0x85: {  	_ =	shalt  }
0x86: {  	_ =	shalt  }
0x87: {  	_ =	shalt  }
.Lfunc_end0:
.L_simem_size_0:
called_computation.2_lowered:
.L_overlay_start_0:
0x88: {  	s2 =	sld [smem:$0x3FD9]  }
0x89: {  	s3 =	sld [smem:$0x3FFE];
	_ =	sdelay $0x1  }
0x8a: {  	s1 =	srdreg.scid  }
0x8b: {  	s0 =	sand.u32 $0x1, s1  }
0x8c: {  	s17 =	sshll.u32 s0, $0xA;
	s2 =	sadd.s32 s3, s2  }
0x8d: {  	s2 =	sadd.s32 s2, s17  }
0x8e: {  	[smem:$0x3FC1] =	sst s2  }
0x8f: {  	_ = 	snop  }
0x90: {  	s2 =	sld [smem:$0x3FD0];
	(tm) =	ssettm $0x1  }
0x91: {  	s18 =	sld [smem:$0x3FFB];
	_ =	sdelay $0x3  }
0x92: {  	_ =	strace s18  }
0x93: {  	s3 =	sld [smem:$0x3FFC];
	_ =	sdelay $0x3  }
0x94: {  	_ =	strace s3  }
0x95: {  	s3 =	sld [smem:$0x3FFD];
	_ =	sdelay $0x3  }
0x96: {  	_ =	strace s3  }
0x97: {  	_ =	strace $0x8FFFFFFF  }
0x98: {  	s19 =	sld [smem:$0x3FDB];
	_ =	sdelay $0x1  }
0x99: {  	s4 =	simm.s32 $_scs_section_size  }
0x9a: {  	s5 =	simm.s32 $_size__tile_overlayer_lowered;
	s6 =	simm.s32 $_tile_overlayer_lowered  }
0x9b: {  	s22 =	simm.s32 $0x1BFF;
	s21 =	sshll.u32 s6, $0x1;
	s3 =	sadd.s32 s4, s19  }
0x9c: {  	s7 =	simm.s32 $0x0;
	s20 =	sshll.u32 s5, $0x1;
	s5 =	sadd.s32 s21, s3  }
0x9d: {  	[timem:s7], [sflag:s22] =	dma.local [hbm:s5], s20  }
0x9e: {  	_ =	swait.ge [sflag:s22], s20  }
0x9f: {  	s4 =	ssub.s32 $0x0, s20;
	[sflag:s22] =	ssyncset.done $0x0  }
0xa0: {  	[sflag:s22] =	ssyncadd.s32 s4;
	_ =	sdelay $0x1  }
0xa1: {  	s23 =	simm.s32 $0x1B8B  }
0xa2: {  	_ =	swait.ge [sflag:s23], $0x1  }
0xa3: {  	[sflag:s23] =	ssyncset.done $0x0  }
0xa4: {  	s25 =	simm.s32 $0x1B8E;
	s24 =	sld [smem:$0x3FFE];
	[sflag:s23] =	ssyncadd.s32 $0xFFFFFFFF  }
0xa5: {  	s26 =	simm.s32 $execute0_lowered;
	[smem:$0x3FD2] =	sst s25  }
0xa6: {  	s5 =	sshll.u32 s26, $0x1;
	_ =	strace $0x8000004C;
	[dreg:$0x1] =	wrdreg $0xFFFFFFFF  }
0xa7: {  	s28 =	simm.s32 $_size_execute0_lowered;
	s3 =	sadd.s32 s3, s5;
	[dreg:$0x0] =	wrdreg $0x0  }
0xa8: {  	s5 =	sshll.u32 s28, $0x1;
	[dreg:$0x2] =	wrdreg s3  }
0xa9: {  	[dreg:$0x3] =	wrdreg s5  }
0xaa: {  	[dreg:$0x4] =	wrdreg $0xC0  }
0xab: {  	_ =	task [dreg:s7], $0x5FFFF  }
0xac: {  	[dreg:$0x1] =	wrdreg $0xFFFFFFFF  }
0xad: {  	[dreg:$0x0] =	wrdreg $0x60  }
0xae: {  	[dreg:$0x2] =	wrdreg s2  }
0xaf: {  	[dreg:$0x3] =	wrdreg s24  }
0xb0: {  	[dreg:$0x4] =	wrdreg $0x91000  }
0xb1: {  	[dreg:$0x5] =	wrdreg $0x9  }
0xb2: {  	_ =	task.clear_ibuf [dreg:s7], $0x6FFFF;
	_ =	strace $0x9000004C  }
0xb3: {  	s29 =	simm.s32 $0x9;
	_ =	strace $0x8000004E  }
0xb4: {  	_ =	swait.ge [sflag:s29], $0x1  }
0xb5: {  	[sflag:s29] =	ssyncadd.s32 $0xFFFFFFFF  }
0xb6: {  	_ =	strace $0x9000004E  }
0xb7: {  	_ =	sfence  }
0xb8: {  	s30 =	sld [smem:$0x0];
	_ =	sdelay $0x2  }
0xb9: {  	s31 =	sshll.u32 s1, $0xD;
	s1 =	sshrl.u32 s1, $0x2  }
0xba: {  	s3 =	sand.u32 $0x4000, s31;
	s1 =	sadd.s32 s1, s30  }
0xbb: {  	s0 =	sor.u32 s3, s0;
	s1 =	sshll.u32 s1, $0x11  }
0xbc: {  	s0 =	sor.u32 s1, s0  }
0xbd: {  	s0 =	sadd.s32 $0x8F2B, s0  }
0xbe: {  	[sflag:s0] =	ssyncadd.remote.s32 $0x1  }
0xbf: {  	_ =	sfence.sel $0xFFFF  }
0xc0: {  	[dreg:$0x0] =	wrdreg $0xFFFFFFFF;
	(pc) =	sbr.abs _section_cstart, $3  }
0xc1: {  	[dreg:$0x1] =	wrdreg $0xFFFFFFFF  }
0xc2: {  	_ =	task.clear_ibuf [dreg:s7], $0x2FFFF;
	_ =	strace $0x9FFFFFFF  }
0xc3: {  	(tm) =	ssettm $0x7FFFFFFF  }
tec
execute0_lowered:
.L_overlay_start_1:
0x0: {  	(tag) =	ssettag $0x1  }
0x1: {  	s1 =	rddreg [dreg:$0x0]  }
0x2: {  	s0 =	rddreg [dreg:$0x1]  }
0x3: {  	s2 =	rddreg [dreg:$0x2]  }
0x4: {  	s4 =	srdreg.scid;
	s3 =	simm.s32 $0x0;
	s7 =	stileid.u32  }
0x5: {  	s28 =	simm.s32 $0x6;
	s29 =	simm.s32 $0x6900;
	s30 =	simm.s32 $0x2  }
0x6: {  	s31 =	simm.s32 $0x3;
	s4 =	sand.u32 $0x1, s4;
	[smem:$0x7FF] =	sst s3  }
0x7: {  	s11 =	sadd.s32 $0x26400, s0;
	s8 =	sadd.s32 $0xC600, s0;
	s5 =	sshll.u32 s4, $0x4  }
0x8: {  	_ =	strace $0x8000004D;
	s19 =	ssub.s32 $0x2, s4;
	s22 =	smul.u32 $0x2710, s4  }
0x9: {  	p4 =	seq.s32 s4, $0x1;
	[dreg:$0x4] =	wrdreg s11;
	s4 =	smul.u32 $0x27100, s4  }
0xa: {  	s5 =	sor.u32 s7, s5;
	s7 =	smul.u32 $0x270, s7;
	s10 =	sshrl.u32 s19, $0x1  }
0xb: {  	s6 =	sshll.u32 s5, $0xB;
	s15 =	ssub.s32 s19, s10;
	s5 =	smul.u32 $0x2710, s5  }
0xc: {  	s9 =	sadd.s32 s6, s0;
	s0 =	sadd.s32 $0x4D600, s0;
	s7 =	sadd.s32 $0x10, s7  }
0xd: {  	s15 =	smax.u32 s15, $0x1;
	s20 =	sshll.u32 s7, $0x7;
	s21 =	sshll.u32 s7, $0x4  }
0xe: {  	s9 =	sadd.s32 $0x16400, s9;
	s5 =	sshrl.u32 s5, $0x3;
	s23 =	sadd.s32 s22, s7  }
0xf: {  	s14 =	sadd.s32 s0, s4;
	s22 =	simm.s32 $0x80;
	s6 =	sadd.s32 s20, s2  }
0x10: {  	s12 =	sadd.s32 s1, s21;
	s10 =	sadd.s32 s11, s21;
	[dreg:$0x7] =	wrdreg s9  }
0x11: {  	s9 =	stileid.u32;
	s20 =	simm.s32 $0x100;
	[dreg:$0x5] =	wrdreg s12  }
0x12: {  	s21 =	simm.s32 $0x7;
	[dreg:$0x6] =	wrdreg s10;
	s10 =	sadd.s32 s8, s5  }
0x13: {  	s24 =	smul.u32 $0x2710, s9;
	s5 =	sshll.u32 s23, $0x4;
	p0 =	sne.s32 s9, $0x0  }
0x14: {  	s23 =	simm.s32 $0x5;
	s25 =	sadd.s32 $0xA, s10;
	s12 =	sadd.s32 $0x14, s10  }
0x15: {  	s13 =	sadd.s32 s0, s5;
	p1 =	por !p4, !p0;
	p2 =	por p4, !p0  }
0x16: {  	p3 =	por !p4, p0;
	p4 =	por p4, p0;
	s5 =	simm.s32 $0x0  }
0x17: {  	[dreg:$0x8] =	wrdreg s25;
	s26 =	sadd.s32 s24, s4;
	s19 =	sshrl.u32 @!p1 s6, $0x3  }
0x18: {  	s24 =	simm.s32 $0x50;
	s25 =	simm.s32 $0x4100;
	s4 =	sadd.s32 $0x140, s26  }
0x19: {  	s0 =	sadd.s32 $0xF0, s26;
	s26 =	simm.s32 $0x1;
	s4 =	sshrl.u32 s4, $0x3  }
0x1a: {  	s0 =	sshrl.u32 s0, $0x3;
	s16 =	sadd.s32 s4, s8;
	s4 =	sshll.u32 @!p1 s9, $0x6  }
0x1b: {  	s17 =	sadd.s32 s0, s8;
	s0 =	simm.s32 $0x4;
	s18 =	sor.u32 @!p1 $0x1C07, s4  }
.LBB2_1:
0x1c: {  	s4 =	rddreg [dreg:$0x6]  }
0x1d: {  	[spmem:s19], [sflag:s18] =	dma.local @!p1 [hbm:s4], $0x2700  }
0x1e: {  	s4 =	simm.s32 @!p1 $0x7  }
0x1f: {  	_ =	swait.ge @!p1 [sflag:s4], $0x2700  }
0x20: {  	s7 =	sshll.u32 @!p2 s9, $0x6;
	[sflag:s4] =	ssyncset.done @!p1 $0x0;
	s8 =	rddreg [dreg:$0x5]  }
0x21: {  	[sflag:s4] =	ssyncadd.s32 @!p1 $0xFFFFD900;
	s4 =	sor.u32 @!p2 $0x1C07, s7;
	s7 =	sshrl.u32 @!p2 s6, $0x3  }
0x22: {  	[spmem:s7], [sflag:s4] =	dma.local @!p2 [hbm:s8], $0x2700  }
0x23: {  	s4 =	simm.s32 @!p2 $0x7  }
0x24: {  	_ =	swait.ge @!p2 [sflag:s4], $0x2700  }
0x25: {  	s7 =	sshrl.u32 @!p3 s2, $0x3;
	[sflag:s4] =	ssyncset.done @!p2 $0x0  }
0x26: {  	s8 =	rddreg [dreg:$0x4];
	[sflag:s4] =	ssyncadd.s32 @!p2 $0xFFFFD900;
	s4 =	simm.s32 @!p0 $0x1C07  }
0x27: {  	[spmem:s7], [sflag:s4] =	dma.local @!p3 [hbm:s8], $0x2800  }
0x28: {  	s7 =	simm.s32 @!p3 $0x7  }
0x29: {  	_ =	swait.ge @!p3 [sflag:s7], $0x2800  }
0x2a: {  	[sflag:s7] =	ssyncset.done @!p3 $0x0  }
0x2b: {  	[sflag:s7] =	ssyncadd.s32 @!p3 $0xFFFFD800;
	s7 =	sshrl.u32 @!p4 s2, $0x3  }
0x2c: {  	[spmem:s7], [sflag:s4] =	dma.local @!p4 [hbm:s1], $0x2800  }
0x2d: {  	s4 =	simm.s32 @!p4 $0x7  }
0x2e: {  	_ =	swait.ge @!p4 [sflag:s4], $0x2800  }
0x2f: {  	[sflag:s4] =	ssyncset.done @!p4 $0x0  }
0x30: {  	s11 =	rddreg [dreg:$0x7];
	[sflag:s4] =	ssyncadd.s32 @!p4 $0xFFFFD800  }
0x31: {  	[tilespmem:s20], [sflag:$0x7] =	stream.linear.gather [hbm4b:s11+s3], $0x3E80, $0x38;
	[tilespmem:$0x1C980] =	vst v63  }
0x32: {  	_ =	swait.ge [sflag:s21], $0x3E80  }
0x33: {  	[sflag:s21] =	ssyncset.done $0x0  }
0x34: {  	[sflag:s21] =	ssyncadd.s32 $0xFFFFC180  }
0x35: {  	[bflag:$0x0] =	sbarrier.arrive $0xFFFF  }
0x36: {  	[tilespmem:s3], [sflag:$0x5] =	stream.linear.gather [hbm4b:s10+s3], $0x50, $0x38;
	[tilespmem:$0x1C980] =	vst v63  }
0x37: {  	s7 =	rddreg [dreg:$0x8]  }
0x38: {  	[tilespmem:s22], [sflag:$0x6] =	stream.linear.gather [hbm4b:s7+s3], $0x50, $0x38;
	[tilespmem:$0x1C980] =	vst v63  }
0x39: {  	_ =	swait.ge [sflag:s23], $0x50  }
0x3a: {  	[sflag:s23] =	ssyncset.done $0x0  }
0x3b: {  	[sflag:s23] =	ssyncadd.s32 $0xFFFFFFB0  }
0x3c: {  	[tilespmem:s25], [sflag:$0x1] =	stream.indirect.gather [hbm4b:s1+s24], $0x80, s3, s24, $0xb8;
	[tilespmem:$0x1C980] =	vst v63  }
0x3d: {  	_ =	swait.ge [sflag:s26], $0x2800  }
0x3e: {  	[sflag:s26] =	ssyncset.done $0x0  }
0x3f: {  	[sflag:s26] =	ssyncadd.s32 $0xFFFFD800  }
0x40: {  	[tilespmem:s3], [sflag:$0x5] =	stream.linear.gather [hbm4b:s12+s3], $0x50, $0x38;
	[tilespmem:$0x1C980] =	vst v63  }
0x41: {  	_ =	swait.ge [sflag:s28], $0x50  }
0x42: {  	[sflag:s28] =	ssyncset.done $0x0  }
0x43: {  	[sflag:s28] =	ssyncadd.s32 $0xFFFFFFB0  }
0x44: {  	[tilespmem:s29], [sflag:$0x2] =	stream.indirect.gather [hbm4b:s1+s24], $0x80, s22, s24, $0xb8;
	[tilespmem:$0x1C980] =	vst v63  }
0x45: {  	_ = 	snop  }
0x46: {  	[spmem:s2] =	stream.indirect.scatter.add.f32 [tilespmem:s25], [sflag:$0x3], $0x80, s20, s24, $0xb8;
	[tilespmem:$0x1C980] =	vst v63  }
0x47: {  	_ =	swait.ge [sflag:s30], $0x2800  }
0x48: {  	[sflag:s30] =	ssyncset.done $0x0  }
0x49: {  	s8 =	sadd.s32 $0x0, s17;
	[sflag:s30] =	ssyncadd.s32 $0xFFFFD800  }
0x4a: {  	[tilespmem:s22], [sflag:$0x6] =	stream.linear.gather [hbm4b:s8+s3], $0x50, $0x38;
	[tilespmem:$0x1C980] =	vst v63  }
0x4b: {  	_ =	swait.ge [sflag:s31], $0x2800  }
0x4c: {  	[sflag:s31] =	ssyncset.done $0x0  }
0x4d: {  	[sflag:s31] =	ssyncadd.s32 $0xFFFFD800  }
0x4e: {  	_ =	swait.ge [sflag:s23], $0x50  }
0x4f: {  	[sflag:s23] =	ssyncset.done $0x0  }
0x50: {  	[sflag:s23] =	ssyncadd.s32 $0xFFFFFFB0  }
0x51: {  	[tilespmem:s25], [sflag:$0x1] =	stream.indirect.gather [hbm4b:s1+s24], $0x80, s3, s24, $0xb8;
	[tilespmem:$0x1C980] =	vst v63  }
0x52: {  	s9 =	simm.s32 $0x180  }
0x53: {  	[spmem:s2] =	stream.indirect.scatter.add.f32 [tilespmem:s29], [sflag:$0x4], $0x80, s9, s24, $0xb8;
	[tilespmem:$0x1C980] =	vst v63  }
0x54: {  	_ =	swait.ge [sflag:s26], $0x2800  }
0x55: {  	[sflag:s26] =	ssyncset.done $0x0  }
0x56: {  	s11 =	sadd.s32 $0x0, s16;
	[sflag:s26] =	ssyncadd.s32 $0xFFFFD800  }
0x57: {  	[tilespmem:s3], [sflag:$0x5] =	stream.linear.gather [hbm4b:s11+s3], $0x50, $0x38;
	[tilespmem:$0x1C980] =	vst v63  }
0x58: {  	_ =	swait.ge [sflag:s0], $0x2800  }
0x59: {  	[sflag:s0] =	ssyncset.done $0x0  }
0x5a: {  	[sflag:s0] =	ssyncadd.s32 $0xFFFFD800  }
0x5b: {  	_ =	swait.ge [sflag:s28], $0x50  }
0x5c: {  	s4 =	simm.s32 $0x200;
	[sflag:s28] =	ssyncset.done $0x0  }
0x5d: {  	s7 =	simm.s32 $0x14;
	s8 =	simm.s32 $0x300;
	[sflag:s28] =	ssyncadd.s32 $0xFFFFFFB0  }
0x5e: {  	[tilespmem:s29], [sflag:$0x2] =	stream.indirect.gather [hbm4b:s1+s24], $0x80, s22, s24, $0xb8;
	[tilespmem:$0x1C980] =	vst v63  }
.LBB2_2:
0x5f: {  	[spmem:s2] =	stream.indirect.scatter.add.f32 [tilespmem:s25], [sflag:$0x3], $0x80, s4, s24, $0xb8;
	[tilespmem:$0x1C980] =	vst v63  }
0x60: {  	s9 =	smov.u32 s7;
	s4 =	smov.u32 s8  }
0x61: {  	p5 =	sne.s32 s7, $0x4B0;
	s7 =	sadd.s32 $0x14, s7;
	_ =	swait.ge [sflag:s30], $0x2800  }
0x62: {  	[sflag:s30] =	ssyncset.done $0x0  }
0x63: {  	s11 =	sadd.s32 s9, s17;
	[sflag:s30] =	ssyncadd.s32 $0xFFFFD800  }
0x64: {  	[tilespmem:s22], [sflag:$0x6] =	stream.linear.gather [hbm4b:s11+s3], $0x50, $0x38;
	[tilespmem:$0x1C980] =	vst v63  }
0x65: {  	_ =	swait.ge [sflag:s31], $0x2800  }
0x66: {  	[sflag:s31] =	ssyncset.done $0x0  }
0x67: {  	[sflag:s31] =	ssyncadd.s32 $0xFFFFD800  }
0x68: {  	_ =	swait.ge [sflag:s23], $0x50  }
0x69: {  	[sflag:s23] =	ssyncset.done $0x0  }
0x6a: {  	[sflag:s23] =	ssyncadd.s32 $0xFFFFFFB0  }
0x6b: {  	[tilespmem:s25], [sflag:$0x1] =	stream.indirect.gather [hbm4b:s1+s24], $0x80, s3, s24, $0xb8;
	[tilespmem:$0x1C980] =	vst v63  }
0x6c: {  	s11 =	sadd.s32 $0xFFFFFF80, s8  }
0x6d: {  	[spmem:s2] =	stream.indirect.scatter.add.f32 [tilespmem:s29], [sflag:$0x4], $0x80, s11, s24, $0xb8;
	[tilespmem:$0x1C980] =	vst v63  }
0x6e: {  	_ =	swait.ge [sflag:s26], $0x2800  }
0x6f: {  	[sflag:s26] =	ssyncset.done $0x0  }
0x70: {  	s9 =	sadd.s32 s9, s16;
	[sflag:s26] =	ssyncadd.s32 $0xFFFFD800  }
0x71: {  	[tilespmem:s3], [sflag:$0x5] =	stream.linear.gather [hbm4b:s9+s3], $0x50, $0x38;
	[tilespmem:$0x1C980] =	vst v63  }
0x72: {  	_ =	swait.ge [sflag:s0], $0x2800  }
0x73: {  	[sflag:s0] =	ssyncset.done $0x0  }
0x74: {  	[sflag:s0] =	ssyncadd.s32 $0xFFFFD800  }
.Ltmp0:
0x75: {  	_ =	swait.ge [sflag:s28], $0x50;
	(pc) =	sbr.rel @p5 .LBB2_2-.Ltmp0, $4  }
0x76: {  	[sflag:s28] =	ssyncset.done $0x0  }
0x77: {  	[sflag:s28] =	ssyncadd.s32 $0xFFFFFFB0  }
0x78: {  	[tilespmem:s29], [sflag:$0x2] =	stream.indirect.gather [hbm4b:s1+s24], $0x80, s22, s24, $0xb8;
	[tilespmem:$0x1C980] =	vst v63  }
0x79: {  	s8 =	sadd.s32 $0x100, s8  }
0x7a: {  	[spmem:s2] =	stream.indirect.scatter.add.f32 [tilespmem:s25], [sflag:$0x3], $0x80, s4, s24, $0xb8;
	[tilespmem:$0x1C980] =	vst v63  }
0x7b: {  	_ =	swait.ge [sflag:s30], $0x2800  }
0x7c: {  	[sflag:s30] =	ssyncset.done $0x0  }
0x7d: {  	[sflag:s30] =	ssyncadd.s32 $0xFFFFD800  }
0x7e: {  	_ =	swait.ge [sflag:s31], $0x2800  }
0x7f: {  	[sflag:s31] =	ssyncset.done $0x0  }
0x80: {  	[sflag:s31] =	ssyncadd.s32 $0xFFFFD800  }
0x81: {  	_ =	swait.ge [sflag:s23], $0x50  }
0x82: {  	[sflag:s23] =	ssyncset.done $0x0  }
0x83: {  	[sflag:s23] =	ssyncadd.s32 $0xFFFFFFB0  }
0x84: {  	[tilespmem:s25], [sflag:$0x1] =	stream.indirect.gather [hbm4b:s1+s24], $0x80, s3, s24, $0xb8;
	[tilespmem:$0x1C980] =	vst v63  }
0x85: {  	s9 =	simm.s32 $0x3E80  }
0x86: {  	[spmem:s2] =	stream.indirect.scatter.add.f32 [tilespmem:s29], [sflag:$0x4], $0x80, s9, s24, $0xb8;
	[tilespmem:$0x1C980] =	vst v63  }
0x87: {  	_ =	swait.ge [sflag:s26], $0x2800  }
0x88: {  	[sflag:s26] =	ssyncset.done $0x0  }
0x89: {  	[sflag:s26] =	ssyncadd.s32 $0xFFFFD800  }
0x8a: {  	_ =	swait.ge [sflag:s0], $0x2800  }
0x8b: {  	[sflag:s0] =	ssyncset.done $0x0  }
0x8c: {  	s11 =	simm.s32 $0x3F00;
	[sflag:s0] =	ssyncadd.s32 $0xFFFFD800  }
0x8d: {  	[spmem:s2] =	stream.indirect.scatter.add.f32 [tilespmem:s25], [sflag:$0x3], $0x80, s11, s24, $0xb8;
	[tilespmem:$0x1C980] =	vst v63  }
0x8e: {  	_ =	swait.ge [sflag:s31], $0x2800  }
0x8f: {  	s9 =	stileid.u32;
	[sflag:s31] =	ssyncset.done $0x0  }
0x90: {  	s4 =	sshll.u32 @p0 s9, $0x6;
	[sflag:s31] =	ssyncadd.s32 $0xFFFFD800  }
0x91: {  	s7 =	sshrl.u32 @p0 s6, $0x3;
	s4 =	sor.u32 @p0 $0x1C07, s4;
	[bflag:$0x0] =	sbarrier.arrive $0xFFFF  }
0x92: {  	[hbm:s13], [sflag:s4] =	dma.local @p0 [spmem:s7], $0x2700  }
0x93: {  	s4 =	simm.s32 @p0 $0x7  }
0x94: {  	s5 =	sadd.s32 $0x1, s5;
	_ =	swait.ge @p0 [sflag:s4], $0x2700  }
0x95: {  	p5 =	sne.s32 s5, s15;
	[sflag:s4] =	ssyncset.done @p0 $0x0  }
0x96: {  	s7 =	simm.s32 @!p0 $0x1C07;
	[sflag:s4] =	ssyncadd.s32 @p0 $0xFFFFD900;
	s4 =	sshrl.u32 @!p0 s2, $0x3  }
0x97: {  	[hbm:s14], [sflag:s7] =	dma.local @!p0 [spmem:s4], $0x2800  }
.Ltmp1:
0x98: {  	_ = 	snop;
	(pc) =	sbr.rel @p5 .LBB2_1-.Ltmp1, $4  }
0x99: {  	s4 =	simm.s32 @!p0 $0x7  }
0x9a: {  	_ =	swait.ge @!p0 [sflag:s4], $0x2800  }
0x9b: {  	[sflag:s4] =	ssyncset.done @!p0 $0x0  }
0x9c: {  	[sflag:s4] =	ssyncadd.s32 @!p0 $0xFFFFD800  }
0x9d: {  	_ =	sfence.sel $0x180000  }
0x9e: {  	[bflag:$0x0] =	sbarrier.arrive $0xFFFF  }
0x9f: {  	_ =	strace $0x9000004D  }
0xa0: {  	[bflag:$0x2] =	sbarrier.arrive $0xFFFF  }
0xa1: {  	s0 =	rddreg [dreg:$0x3]  }
0xa2: {  	s0 =	sadd.s32 @!p0 $0x100000, s0  }
0xa3: {  	[sflag:s0] =	ssyncadd.tile.s32 @!p0 $0x1;
	_ =	shalt  }
.Lfunc_end2:
_tile_overlayer_lowered:
.L_overlay_start_2:
0xa4: {  	(tag) =	ssettag $0x2  }
0xa5: {  	s0 =	rddreg [dreg:$0x0];
	s2 =	stileid.u32  }
0xa6: {  	s1 =	rddreg [dreg:$0x1];
	p0 =	sne.s32 s2, $0x0  }
0xa7: {  	s3 =	rddreg [dreg:$0x2];
	[bflag:$0x3] =	sbarrier.arrive $0xFFFF;
	s2 =	simm.s32 @!p0 $0x1C07  }
0xa8: {  	[timem:s3], [sflag:s2] =	dma.local @!p0 [hbm:s0], s1  }
0xa9: {  	s0 =	simm.s32 @!p0 $0x7  }
0xaa: {  	_ =	swait.ge @!p0 [sflag:s0], s1  }
0xab: {  	s1 =	ssub.s32 @!p0 $0x0, s1;
	[sflag:s0] =	ssyncset.done @!p0 $0x0  }
0xac: {  	[sflag:s0] =	ssyncadd.s32 @!p0 s1  }
0xad: {  	[bflag:$0x3] =	sbarrier.arrive $0xFFFF  }
0xae: {  	_ =	shalt  }

// kernel: kernel.8.cloned.1.call-start
scs
__scs_entry_jumppad:
0x0: {  	(pc) =	sbr.rel $0x88, $3  }
0x1: {  	(tag) =	ssettag $0x0;
	lr =	simm.s32 $0x1  }
0x2: {  	[smem:$0x3F9A] =	sst lr;
	_ =	strace $0xD0000000  }
0x3: {  	_ = 	snop  }
0x4: {  	_ = 	snop  }
0x5: {  	_ = 	snop  }
0x6: {  	_ = 	snop  }
0x7: {  	_ = 	snop  }
__scs_overlays_trampoline_lowered:
0x8: {  	[smem:$0x3FA9] =	sst s0  }
0x9: {  	[smem:$0x3FAA] =	sst s1  }
0xa: {  	[smem:$0x3FAB] =	sst s2  }
0xb: {  	[smem:$0x3FAC] =	sst s3  }
0xc: {  	[smem:$0x3FAD] =	sst s4  }
0xd: {  	[smem:$0x3FAE] =	sst s5  }
0xe: {  	[smem:$0x3FAF] =	sst s6  }
0xf: {  	[smem:$0x3FB0] =	sst s7  }
0x10: {  	[smem:$0x3FB1] =	sst s8  }
0x11: {  	[smem:$0x3FB2] =	sst s9;
	s0 =	simm.s32 @!p0 $0x0  }
0x12: {  	s1 =	sld [smem:$0x3F98];
	s0 =	simm.s32 @p0 $0x1  }
0x13: {  	[smem:$0x3FB3] =	sst s0;
	s0 =	simm.s32 @!p1 $0x0  }
0x14: {  	s2 =	sld [smem:$0x3F97];
	s0 =	simm.s32 @p1 $0x1  }
0x15: {  	[smem:$0x3FB4] =	sst s0;
	s0 =	simm.s32 @!p2 $0x0  }
0x16: {  	s3 =	sld [smem:$0x3FDB];
	s0 =	simm.s32 @p2 $0x1  }
0x17: {  	s4 =	simm.s32 $0x1BF5;
	[smem:$0x3FB6] =	sst s0  }
0x18: {  	s0 =	sld [smem:$0x3F99];
	_ =	swait.ge [sflag:s4], $0x0  }
0x19: {  	s7 =	sld [smem:$0x3F9A]  }
0x1a: {  	s8 =	sadd.s32 $0xFFFFE003, lr  }
0x1b: {  	s9 =	sadd.s32 $0xFFFFFEF7, lr;
	s5 =	simm.s32 $0xFFFFFFFF;
	p2 =	slt.u32 s8, $0xFFFFF086  }
0x1c: {  	p1 =	slt.u32 s9, $0xF7A;
	s5 =	simm.s32 @!p2 $0x0  }
0x1d: {  	s5 =	simm.s32 @p1 $0x1;
	p0 =	seq.s32 s7, s2  }
0x1e: {  	s7 =	smul.u32 @!p0 $0xF7A, s2;
	p2 =	seq.s32 @!p0 s5, $0x0  }
0x1f: {  	s9 =	smul.u32 $0xF7A, s1;
	s8 =	simm.s32 @!p0 $0x1BF5;
	p2 =	por !p2, p0  }
0x20: {  	[sflag:s8] =	ssyncset.s32 @!p0 $0xFFFFF086;
	s6 =	sadd.s32 @!p0 s3, s7;
	s7 =	simm.s32 @!p0 $0x108  }
0x21: {  	s3 =	sadd.s32 s3, s9;
	s6 =	sadd.s32 @!p0 $0x88, s6;
	s7 =	simm.s32 @p2 $0x1082  }
0x22: {  	[simem:s7], [sflag:s8] =	dma.local @!p0 [hbm:s6], $0xF7A  }
0x23: {  	s9 =	sor.u32 $0xD0000000, s2;
	s6 =	simm.s32 $0x108;
	_ =	swait.ge @!p0 [sflag:s8], $0x0  }
0x24: {  	s3 =	sadd.s32 $0x88, s3;
	s6 =	simm.s32 @!p1 $0x1082;
	[sflag:s4] =	ssyncset.s32 $0xFFFFF086  }
0x25: {  	[simem:s6], [sflag:s4] =	dma.local [hbm:s3], $0xF7A  }
0x26: {  	[smem:$0x3F9A] =	sst s1;
	(tag) =	ssettag s2;
	_ =	strace s9  }
0x27: {  	s1 =	sld [smem:$0x3FAA]  }
0x28: {  	s2 =	sld [smem:$0x3FAB]  }
0x29: {  	s4 =	sld [smem:$0x3FAD]  }
0x2a: {  	p0 =	seq.s32 s5, $0x0;
	s5 =	sld [smem:$0x3FAE]  }
0x2b: {  	s6 =	sld [smem:$0x3FAF]  }
0x2c: {  	s7 =	sld [smem:$0x3FB0]  }
0x2d: {  	s3 =	simm.s32 $0x108;
	s8 =	sld [smem:$0x3FB1]  }
0x2e: {  	s3 =	simm.s32 @!p0 $0x1082;
	s9 =	sld [smem:$0x3FB2]  }
0x2f: {  	lr =	sadd.s32 s0, s3;
	s0 =	sld [smem:$0x3FA9]  }
0x30: {  	s3 =	sld [smem:$0x3FAC]  }
0x31: {  	[smem:$0x3FB5] =	sst s10  }
0x32: {  	s10 =	sld [smem:$0x3FB3];
	_ =	sdelay $0x3  }
0x33: {  	p0 =	seq.s32 s10, $0x1;
	s10 =	sld [smem:$0x3FB5];
	_ =	sdelay $0x3  }
0x34: {  	[smem:$0x3FB5] =	sst s10  }
0x35: {  	s10 =	sld [smem:$0x3FB4];
	_ =	sdelay $0x3  }
0x36: {  	p1 =	seq.s32 s10, $0x1;
	s10 =	sld [smem:$0x3FB5];
	_ =	sdelay $0x3  }
0x37: {  	[smem:$0x3FB5] =	sst s10  }
0x38: {  	s10 =	sld [smem:$0x3FB6]  }
0x39: {  	_ = 	snop;
	(pc) =	sbr.ind lr, $3  }
0x3a: {  	_ = 	snop  }
0x3b: {  	_ = 	snop  }
0x3c: {  	p2 =	seq.s32 s10, $0x1;
	s10 =	sld [smem:$0x3FB5]  }
0x3d: {  	_ =	shalt  }
0x3e: {  	_ =	shalt  }
0x3f: {  	_ =	shalt  }
0x40: {  	_ =	shalt  }
0x41: {  	_ =	shalt  }
0x42: {  	_ =	shalt  }
0x43: {  	_ =	shalt  }
0x44: {  	_ =	shalt  }
0x45: {  	_ =	shalt  }
0x46: {  	_ =	shalt  }
0x47: {  	_ =	shalt  }
0x48: {  	_ =	shalt  }
0x49: {  	_ =	shalt  }
0x4a: {  	_ =	shalt  }
0x4b: {  	_ =	shalt  }
0x4c: {  	_ =	shalt  }
0x4d: {  	_ =	shalt  }
0x4e: {  	_ =	shalt  }
0x4f: {  	_ =	shalt  }
0x50: {  	_ =	shalt  }
0x51: {  	_ =	shalt  }
0x52: {  	_ =	shalt  }
0x53: {  	_ =	shalt  }
0x54: {  	_ =	shalt  }
0x55: {  	_ =	shalt  }
0x56: {  	_ =	shalt  }
0x57: {  	_ =	shalt  }
0x58: {  	_ =	shalt  }
0x59: {  	_ =	shalt  }
0x5a: {  	_ =	shalt  }
0x5b: {  	_ =	shalt  }
0x5c: {  	_ =	shalt  }
0x5d: {  	_ =	shalt  }
0x5e: {  	_ =	shalt  }
0x5f: {  	_ =	shalt  }
0x60: {  	_ =	shalt  }
0x61: {  	_ =	shalt  }
0x62: {  	_ =	shalt  }
0x63: {  	_ =	shalt  }
0x64: {  	_ =	shalt  }
0x65: {  	_ =	shalt  }
0x66: {  	_ =	shalt  }
0x67: {  	_ =	shalt  }
0x68: {  	_ =	shalt  }
0x69: {  	_ =	shalt  }
0x6a: {  	_ =	shalt  }
0x6b: {  	_ =	shalt  }
0x6c: {  	_ =	shalt  }
0x6d: {  	_ =	shalt  }
0x6e: {  	_ =	shalt  }
0x6f: {  	_ =	shalt  }
0x70: {  	_ =	shalt  }
0x71: {  	_ =	shalt  }
0x72: {  	_ =	shalt  }
0x73: {  	_ =	shalt  }
0x74: {  	_ =	shalt  }
0x75: {  	_ =	shalt  }
0x76: {  	_ =	shalt  }
0x77: {  	_ =	shalt  }
0x78: {  	_ =	shalt  }
0x79: {  	_ =	shalt  }
0x7a: {  	_ =	shalt  }
0x7b: {  	_ =	shalt  }
0x7c: {  	_ =	shalt  }
0x7d: {  	_ =	shalt  }
0x7e: {  	_ =	shalt  }
0x7f: {  	_ =	shalt  }
0x80: {  	_ =	shalt  }
0x81: {  	_ =	shalt  }
0x82: {  	_ =	shalt  }
0x83: {  	_ =	shalt  }
0x84: {  	_ =	shalt  }
0x85: {  	_ =	shalt  }
0x86: {  	_ =	shalt  }
0x87: {  	_ =	shalt  }
.Lfunc_end0:
.L_simem_size_0:
called_computation_lowered:
.L_overlay_start_0:
0x88: {  	s2 =	sld [smem:$0x3FD9]  }
0x89: {  	s3 =	sld [smem:$0x3FFE];
	_ =	sdelay $0x1  }
0x8a: {  	s1 =	srdreg.scid  }
0x8b: {  	s0 =	sand.u32 $0x1, s1  }
0x8c: {  	s17 =	sshll.u32 s0, $0xA;
	s2 =	sadd.s32 s3, s2  }
0x8d: {  	s2 =	sadd.s32 s2, s17  }
0x8e: {  	[smem:$0x3FC1] =	sst s2  }
0x8f: {  	_ = 	snop  }
0x90: {  	s2 =	sld [smem:$0x3FD0];
	(tm) =	ssettm $0x1  }
0x91: {  	s18 =	sld [smem:$0x3FFB];
	_ =	sdelay $0x3  }
0x92: {  	_ =	strace s18  }
0x93: {  	s3 =	sld [smem:$0x3FFC];
	_ =	sdelay $0x3  }
0x94: {  	_ =	strace s3  }
0x95: {  	s3 =	sld [smem:$0x3FFD];
	_ =	sdelay $0x3  }
0x96: {  	_ =	strace s3  }
0x97: {  	_ =	strace $0x8FFFFFFF  }
0x98: {  	s19 =	sld [smem:$0x3FDB];
	_ =	sdelay $0x1  }
0x99: {  	s4 =	simm.s32 $_scs_section_size  }
0x9a: {  	s5 =	simm.s32 $_size__tile_overlayer_lowered;
	s6 =	simm.s32 $_tile_overlayer_lowered  }
0x9b: {  	s22 =	simm.s32 $0x1BFF;
	s21 =	sshll.u32 s6, $0x1;
	s3 =	sadd.s32 s4, s19  }
0x9c: {  	s7 =	simm.s32 $0x0;
	s20 =	sshll.u32 s5, $0x1;
	s5 =	sadd.s32 s21, s3  }
0x9d: {  	[timem:s7], [sflag:s22] =	dma.local [hbm:s5], s20  }
0x9e: {  	_ =	swait.ge [sflag:s22], s20  }
0x9f: {  	s4 =	ssub.s32 $0x0, s20;
	[sflag:s22] =	ssyncset.done $0x0  }
0xa0: {  	[sflag:s22] =	ssyncadd.s32 s4;
	_ =	sdelay $0x1  }
0xa1: {  	s23 =	simm.s32 $0x1B8B  }
0xa2: {  	_ =	swait.ge [sflag:s23], $0x1  }
0xa3: {  	[sflag:s23] =	ssyncset.done $0x0  }
0xa4: {  	s25 =	simm.s32 $0x1B8E;
	s24 =	sld [smem:$0x3FFE];
	[sflag:s23] =	ssyncadd.s32 $0xFFFFFFFF  }
0xa5: {  	s26 =	simm.s32 $execute0_lowered;
	[smem:$0x3FD2] =	sst s25  }
0xa6: {  	s5 =	sshll.u32 s26, $0x1;
	_ =	strace $0x80000046;
	[dreg:$0x1] =	wrdreg $0xFFFFFFFF  }
0xa7: {  	s28 =	simm.s32 $_size_execute0_lowered;
	s3 =	sadd.s32 s3, s5;
	[dreg:$0x0] =	wrdreg $0x0  }
0xa8: {  	s5 =	sshll.u32 s28, $0x1;
	[dreg:$0x2] =	wrdreg s3  }
0xa9: {  	[dreg:$0x3] =	wrdreg s5  }
0xaa: {  	[dreg:$0x4] =	wrdreg $0xC0  }
0xab: {  	_ =	task [dreg:s7], $0x5FFFF  }
0xac: {  	[dreg:$0x1] =	wrdreg $0xFFFFFFFF  }
0xad: {  	[dreg:$0x0] =	wrdreg $0x60  }
0xae: {  	[dreg:$0x2] =	wrdreg s24  }
0xaf: {  	[dreg:$0x3] =	wrdreg s2  }
0xb0: {  	[dreg:$0x4] =	wrdreg $0x9  }
0xb1: {  	_ =	task.clear_ibuf [dreg:s7], $0x5FFFF;
	_ =	strace $0x90000046  }
0xb2: {  	s29 =	simm.s32 $0x9;
	_ =	strace $0x80000048  }
0xb3: {  	_ =	swait.ge [sflag:s29], $0x1  }
0xb4: {  	[sflag:s29] =	ssyncadd.s32 $0xFFFFFFFF  }
0xb5: {  	_ =	strace $0x90000048  }
0xb6: {  	_ =	sfence  }
0xb7: {  	s30 =	sld [smem:$0x0];
	_ =	sdelay $0x2  }
0xb8: {  	s31 =	sshll.u32 s1, $0xD;
	s1 =	sshrl.u32 s1, $0x2  }
0xb9: {  	s3 =	sand.u32 $0x4000, s31;
	s1 =	sadd.s32 s1, s30  }
0xba: {  	s0 =	sor.u32 s3, s0;
	s1 =	sshll.u32 s1, $0x11  }
0xbb: {  	s0 =	sor.u32 s1, s0  }
0xbc: {  	s0 =	sadd.s32 $0x8F2B, s0  }
0xbd: {  	[sflag:s0] =	ssyncadd.remote.s32 $0x1  }
0xbe: {  	_ =	sfence.sel $0xFFFF  }
0xbf: {  	[dreg:$0x0] =	wrdreg $0xFFFFFFFF;
	(pc) =	sbr.abs _section_cstart, $3  }
0xc0: {  	[dreg:$0x1] =	wrdreg $0xFFFFFFFF  }
0xc1: {  	_ =	task.clear_ibuf [dreg:s7], $0x2FFFF;
	_ =	strace $0x9FFFFFFF  }
0xc2: {  	(tm) =	ssettm $0x7FFFFFFF  }
0xc3: {  	_ =	shalt  }
tec
execute0_lowered:
.L_overlay_start_1:
0x0: {  	(tag) =	ssettag $0x1  }
0x1: {  	s0 =	srdreg.scid  }
0x2: {  	s4 =	rddreg [dreg:$0x0];
	s3 =	sand.u32 $0x1, s0  }
0x3: {  	s5 =	rddreg [dreg:$0x1];
	s0 =	stileid.u32;
	s1 =	sshll.u32 s3, $0x4  }
0x4: {  	s2 =	simm.s32 $0x0;
	s9 =	simm.s32 $0x400;
	s6 =	sor.u32 s0, s1  }
0x5: {  	s10 =	simm.s32 $0x0;
	[smem:$0x7FF] =	sst s2;
	s7 =	sshrl.u32 s6, $0x3  }
0x6: {  	s8 =	sshll.u32 s0, $0x7;
	s3 =	ssub.s32 $0x2, s3;
	s7 =	smul.u32 $0x13C00, s7  }
0x7: {  	s1 =	rddreg [dreg:$0x2];
	s8 =	sand.u32 $0x380, s8;
	s6 =	smul.u32 $0x4E2, s6  }
0x8: {  	_ =	strace $0x80000047;
	s31 =	sshrl.u32 s3, $0x1;
	s7 =	sor.u32 s8, s7  }
0x9: {  	s4 =	sadd.s32 s6, s4;
	s6 =	ssub.s32 s3, s31;
	s7 =	sshrl.u32 s7, $0x3  }
0xa: {  	s3 =	sadd.s32 $0x2800, s4;
	s8 =	simm.s32 $0x80;
	s4 =	sadd.s32 s5, s7  }
0xb: {  	v0 =	vimm.f32 $0.0e+00;
	v1 =	vimm.f32 $1.000000000e+00;
	s5 =	smax.u32 s6, $0x1;
	s6 =	simm.s32 $0x1;
	s7 =	simm.s32 $0x2780  }
.LBB2_1:
0xc: {  	[tilespmem:s2], [sflag:$0x1] =	stream.linear.gather [hbm4b:s3+s2], $0x2710, $0x38;
	[tilespmem:$0x4F00] =	vst v63  }
0xd: {  	_ =	swait.ge [sflag:s6], $0x2710  }
0xe: {  	[sflag:s6] =	ssyncset.done $0x0  }
0xf: {  	s11 =	simm.s32 $0x0;
	[sflag:s6] =	ssyncadd.s32 $0xFFFFD8F0  }
.LBB2_2:
0x10: {  	p0 =	sne.s32 s11, $0x9C00  }
.Ltmp0:
0x11: {  	_ = 	snop;
	(pc) =	sbr.rel @p0 .LBB2_2-.Ltmp0, $3  }
0x12: {  	_ =	sdelay $0x1  }
0x13: {  	s12 =	sshra.s32 s11, $0x2  }
0x14: {  	s11 =	sadd.s32 $0x40, s11;
	[tilespmem:s12+$0x2780] =	vst v0  }
0x15: {  	s12 =	simm.s32 $0x0;
	s11 =	simm.s32 $0x40  }
.LBB2_4:
0x16: {  	p0 =	sne.s32 s11, $0x9C00;
	v2 =	vld [tilespmem:s12+$0x0];
	_ =	sdelay $0x3  }
.Ltmp1:
0x17: {  	(pc) =	sbr.rel @p0 .LBB2_4-.Ltmp1, $2  }
0x18: {  	_ =	sdelay $0x2  }
0x19: {  	s12 =	sshra.s32 s11, $0x2;
	s11 =	sadd.s32 $0x40, s11;
	[tilespmem:v2+s7+$0x0] =	vst.idx.add.f32.msk $0xffff, v1  }
0x1a: {  	v2 =	vld [tilespmem:s12+$0x0];
	_ =	sdelay $0x5  }
0x1b: {  	s10 =	sadd.s32 $0x1, s10  }
0x1c: {  	p0 =	sne.s32 s10, s5  }
.Ltmp2:
0x1d: {  	[tilespmem:v2+s7+$0x0] =	vst.idx.add.f32.msk $0xffff, v1;
	(pc) =	sbr.rel @p0 .LBB2_1-.Ltmp2, $4  }
0x1e: {  	[hbm4b:s4+s8] =	stream.strided.scatter [tilespmem:s7], [sflag:$0x1], $0x2780, s9, s8, $0x38;
	[tilespmem:$0x4F00] =	vst v63  }
0x1f: {  	_ =	swait.ge [sflag:s6], $0x2780  }
0x20: {  	[sflag:s6] =	ssyncset.done $0x0  }
0x21: {  	[sflag:s6] =	ssyncadd.s32 $0xFFFFD880  }
0x22: {  	_ =	sfence.sel $0x180000  }
0x23: {  	[bflag:$0x0] =	sbarrier.arrive $0xFFFF  }
0x24: {  	p0 =	sne.s32 s0, $0x0;
	_ =	strace $0x90000047  }
0x25: {  	s0 =	sadd.s32 @!p0 $0x100000, s1;
	[bflag:$0x2] =	sbarrier.arrive $0xFFFF  }
0x26: {  	[sflag:s0] =	ssyncadd.tile.s32 @!p0 $0x1;
	_ =	shalt  }
.Lfunc_end2:
_tile_overlayer_lowered:
.L_overlay_start_2:
0x27: {  	(tag) =	ssettag $0x2  }
0x28: {  	s0 =	rddreg [dreg:$0x0];
	s2 =	stileid.u32  }
0x29: {  	s1 =	rddreg [dreg:$0x1];
	p0 =	sne.s32 s2, $0x0  }
0x2a: {  	s3 =	rddreg [dreg:$0x2];
	[bflag:$0x3] =	sbarrier.arrive $0xFFFF;
	s2 =	simm.s32 @!p0 $0x1C01  }
0x2b: {  	[timem:s3], [sflag:s2] =	dma.local @!p0 [hbm:s0], s1  }
0x2c: {  	s0 =	simm.s32 @!p0 $0x1  }
0x2d: {  	_ =	swait.ge @!p0 [sflag:s0], s1  }
0x2e: {  	s1 =	ssub.s32 @!p0 $0x0, s1;
	[sflag:s0] =	ssyncset.done @!p0 $0x0  }
0x2f: {  	[sflag:s0] =	ssyncadd.s32 @!p0 s1  }
0x30: {  	[bflag:$0x3] =	sbarrier.arrive $0xFFFF  }
0x31: {  	_ =	shalt  }

</sc_bundles>
